<compile_context>
chip_gen: v7x
topology: tpu7x:2x2x1
jax: 0.10.2.dev20260603
libtpu: 0.0.44.dev20260713+nightly
codegen_flags: <defaults>
</compile_context>

<pallas_src>
import functools

import jax
import jax.numpy as jnp
from jax import lax
from jax.experimental import pallas as pl
from jax.experimental.pallas import tpu as pltpu
from jax.experimental.pallas import tpu_sc as plsc

VOCAB_ROWS = 15514
D = 256
B_TOTAL = 4096 * 200
NUM_WORKERS = 32
B_PER_W = B_TOTAL // NUM_WORKERS
CHUNK = 128
NCHUNK = B_PER_W // CHUNK
NBUF = 3
NT = NCHUNK // NBUF
NEPI = NCHUNK - NT * NBUF


def _make_gather():
    mesh = plsc.VectorSubcoreMesh(core_axis_name="c", subcore_axis_name="s")
    info = plsc.get_sparse_core_info()
    nc = info.num_cores

    @functools.partial(
        pl.kernel,
        mesh=mesh,
        out_type=jax.ShapeDtypeStruct((B_TOTAL, D), jnp.float32),
        scratch_types=(
            [pltpu.VMEM((B_PER_W,), jnp.int32)]
            + [pltpu.VMEM((CHUNK, D), jnp.float32) for _ in range(NBUF)]
            + [pltpu.SemaphoreType.DMA for _ in range(2 * NBUF)]
        ),
    )
    def gather_kernel(idx_hbm, table_hbm, out_hbm, idx_all, *bufs):
        rows = bufs[:NBUF]
        gsem = bufs[NBUF:2 * NBUF]
        wsem = bufs[2 * NBUF:]
        wid = lax.axis_index("s") * nc + lax.axis_index("c")
        base = wid * B_PER_W

        def start_gather(c, b):
            pltpu.async_copy(
                table_hbm.at[idx_all.at[pl.ds(c * CHUNK, CHUNK)]],
                rows[b], gsem[b],
            )

        def wait_gather(b):
            pltpu.make_async_copy(
                table_hbm.at[idx_all.at[pl.ds(0, CHUNK)]], rows[b], gsem[b]
            ).wait()

        def start_write(c, b):
            pltpu.async_copy(
                rows[b], out_hbm.at[pl.ds(base + c * CHUNK, CHUNK)], wsem[b]
            )

        def wait_write(b):
            pltpu.make_async_copy(
                rows[b], out_hbm.at[pl.ds(base, CHUNK)], wsem[b]
            ).wait()

        pltpu.sync_copy(idx_hbm.at[pl.ds(base, B_PER_W)], idx_all)

        for b in range(NBUF):
            start_gather(b, b)

        def body(t, carry):
            c0 = t * NBUF
            for b in range(NBUF):
                wait_gather(b)
                start_write(c0 + b, b)
            for b in range(NBUF):
                wait_write(b)

                @pl.when(c0 + NBUF + b < NCHUNK)
                def _():
                    start_gather(c0 + NBUF + b, b)
            return carry

        lax.fori_loop(0, NT, body, 0)

        for b in range(NEPI):
            wait_gather(b)
            start_write(NT * NBUF + b, b)
        for b in range(NEPI):
            wait_write(b)

    return gather_kernel


_gather = _make_gather()


def kernel(x, emb_table):
    idx = x.reshape(-1).astype(jnp.int32)
    out = _gather(idx, emb_table)
    return out.reshape(x.shape[0], x.shape[1], D)

# --- scband reference (transcript-rebuilt; emitter-appended) ---
"""Pipeline reference for scband-pre-continuous-block-10703058502237 (READ-ONLY COPY).

The authoritative reference and input builder live on the scoring server;
editing this copy changes nothing except your own understanding.
"""

import jax, jax.numpy as jnp
import numpy as np

VOCAB = 15514
EMBED_DIM = 256

def setup_inputs(seed: int = 0) -> dict:
    key = jax.random.key(seed)
    k_idx, k_emb = jax.random.split(key)
    x = jax.random.randint(k_idx, (4096, 200), 0, VOCAB, dtype=jnp.int64 if jax.config.jax_enable_x64 else jnp.int32)
    emb_table = jax.random.normal(k_emb, (VOCAB, EMBED_DIM), dtype=jnp.float32)
    return {"x": x, "emb_table": emb_table}

def reference(x, emb_table):
    # PreContinuousBlock.forward: x = self.emb(x); return {'x': x}
    out = jnp.take(emb_table, x, axis=0)
    return out

if __name__ == "__main__":
    import jax
    _d = setup_inputs()
    print(jax.jit(kernel)(*tuple(_d.values())))

</pallas_src>

<mosaic_0001>
#map = affine_map<(d0, d1) -> (0)>
#map1 = affine_map<(d0, d1) -> (0, 0)>
module attributes {stable_mosaic.version = 14 : i64} {
  func.func @gather_kernel(%arg0: i32, %arg1: i32, %arg2: memref<819200xi32, #tpu.memory_space<hbm>>, %arg3: memref<15514x256xf32, #tpu.memory_space<hbm>>, %arg4: memref<819200x256xf32, #tpu.memory_space<hbm>>, %arg5: memref<25600xi32, #tpu.memory_space<vmem>>, %arg6: memref<128x256xf32, #tpu.memory_space<vmem>>, %arg7: memref<128x256xf32, #tpu.memory_space<vmem>>, %arg8: memref<128x256xf32, #tpu.memory_space<vmem>>, %arg9: memref<!tpu.dma_semaphore, #tpu.memory_space<semaphore_mem>>, %arg10: memref<!tpu.dma_semaphore, #tpu.memory_space<semaphore_mem>>, %arg11: memref<!tpu.dma_semaphore, #tpu.memory_space<semaphore_mem>>, %arg12: memref<!tpu.dma_semaphore, #tpu.memory_space<semaphore_mem>>, %arg13: memref<!tpu.dma_semaphore, #tpu.memory_space<semaphore_mem>>, %arg14: memref<!tpu.dma_semaphore, #tpu.memory_space<semaphore_mem>>) attributes {dimension_semantics = [#tpu.dimension_semantics<core_parallel>, #tpu.dimension_semantics<subcore_parallel>], iteration_bounds = array<i64: 2, 16>, scalar_prefetch = 0 : i64, scratch_operands = 10 : i64, tpu.core_type = #tpu.core_type<sc_vector_subcore>, window_params = [{transform_indices = #map}, {transform_indices = #map1}, {transform_indices = #map1}]} {
    %mul3A = arith.constant 2 : i32
    %mul3A_0 = arith.muli %arg1, %mul3A : i32
    %add3A = arith.addi %mul3A_0, %arg0 : i32
    %mul3A_1 = arith.constant 25600 : i32
    %mul3A_2 = arith.muli %add3A, %mul3A_1 : i32
    "tpu.region"() ({
      %run_scoped3A = tpu.sem_alloc : memref<!tpu.dma_semaphore, #tpu.memory_space<semaphore_mem>>
      %dma_start3A_51 = tpu.memref_slice %arg2[%mul3A_2] : memref<819200xi32, #tpu.memory_space<hbm>> -> memref<25600xi32, #tpu.memory_space<hbm>>
      %dma_start3A_52 = tpu.memref_slice %arg2[%mul3A_2] : memref<819200xi32, #tpu.memory_space<hbm>> -> memref<25600xi32, #tpu.memory_space<hbm>>
      tpu.enqueue_dma source(%dma_start3A_52 : memref<25600xi32, #tpu.memory_space<hbm>>) target(%arg5 : memref<25600xi32, #tpu.memory_space<vmem>>) target_semaphore(%run_scoped3A : memref<!tpu.dma_semaphore, #tpu.memory_space<semaphore_mem>>)
      %dma_wait3A_53 = tpu.memref_slice %arg2[%mul3A_2] : memref<819200xi32, #tpu.memory_space<hbm>> -> memref<25600xi32, #tpu.memory_space<hbm>>
      %dma_wait3A_54 = tpu.memref_slice %arg2[%mul3A_2] : memref<819200xi32, #tpu.memory_space<hbm>> -> memref<25600xi32, #tpu.memory_space<hbm>>
      tpu.wait_dma2 semaphore(%run_scoped3A : memref<!tpu.dma_semaphore, #tpu.memory_space<semaphore_mem>>) src(%dma_wait3A_54 : memref<25600xi32, #tpu.memory_space<hbm>>) dst(%arg5 : memref<25600xi32, #tpu.memory_space<vmem>>)
      tpu.yield
    }) : () -> ()
    %dma_start3A = arith.constant 0 : i32
    %dma_start3A_3 = tpu.memref_slice %arg5[%dma_start3A] : memref<25600xi32, #tpu.memory_space<vmem>> -> memref<128xi32, #tpu.memory_space<vmem>>
    %dma_start3A_4 = arith.constant 0 : i32
    %dma_start3A_5 = arith.constant 0 : i32
    %dma_start3A_6 = tpu.memref_slice %arg3[%dma_start3A_4, %dma_start3A_5] : memref<15514x256xf32, #tpu.memory_space<hbm>> -> memref<15514x256xf32, #tpu.memory_space<hbm>>
    tpu.enqueue_indirect_dma source(%dma_start3A_6 : memref<15514x256xf32, #tpu.memory_space<hbm>>) target(%arg6 : memref<128x256xf32, #tpu.memory_space<vmem>>) offsets(%dma_start3A_3 : memref<128xi32, #tpu.memory_space<vmem>>) semaphore(%arg9 : memref<!tpu.dma_semaphore, #tpu.memory_space<semaphore_mem>>)
    %dma_start3A_7 = arith.constant 128 : i32
    %dma_start3A_8 = tpu.memref_slice %arg5[%dma_start3A_7] : memref<25600xi32, #tpu.memory_space<vmem>> -> memref<128xi32, #tpu.memory_space<vmem>>
    %dma_start3A_9 = arith.constant 0 : i32
    %dma_start3A_10 = arith.constant 0 : i32
    %dma_start3A_11 = tpu.memref_slice %arg3[%dma_start3A_9, %dma_start3A_10] : memref<15514x256xf32, #tpu.memory_space<hbm>> -> memref<15514x256xf32, #tpu.memory_space<hbm>>
    tpu.enqueue_indirect_dma source(%dma_start3A_11 : memref<15514x256xf32, #tpu.memory_space<hbm>>) target(%arg7 : memref<128x256xf32, #tpu.memory_space<vmem>>) offsets(%dma_start3A_8 : memref<128xi32, #tpu.memory_space<vmem>>) semaphore(%arg10 : memref<!tpu.dma_semaphore, #tpu.memory_space<semaphore_mem>>)
    %dma_start3A_12 = arith.constant 256 : i32
    %dma_start3A_13 = tpu.memref_slice %arg5[%dma_start3A_12] : memref<25600xi32, #tpu.memory_space<vmem>> -> memref<128xi32, #tpu.memory_space<vmem>>
    %dma_start3A_14 = arith.constant 0 : i32
    %dma_start3A_15 = arith.constant 0 : i32
    %dma_start3A_16 = tpu.memref_slice %arg3[%dma_start3A_14, %dma_start3A_15] : memref<15514x256xf32, #tpu.memory_space<hbm>> -> memref<15514x256xf32, #tpu.memory_space<hbm>>
    tpu.enqueue_indirect_dma source(%dma_start3A_16 : memref<15514x256xf32, #tpu.memory_space<hbm>>) target(%arg8 : memref<128x256xf32, #tpu.memory_space<vmem>>) offsets(%dma_start3A_13 : memref<128xi32, #tpu.memory_space<vmem>>) semaphore(%arg11 : memref<!tpu.dma_semaphore, #tpu.memory_space<semaphore_mem>>)
    %scan3A = arith.constant 0 : i32
    %scan3A_17 = arith.constant 0 : i32
    %scan3A_18 = arith.constant 66 : i32
    %scan3A_19 = arith.addi %scan3A_17, %scan3A_18 : i32
    %scan3A_20 = arith.constant 1 : i32
    scf.for %scan3A_51 = %scan3A_17 to %scan3A_19 step %scan3A_20  : i32 {
      %mul3A_52 = arith.constant 3 : i32
      %mul3A_53 = arith.muli %scan3A_51, %mul3A_52 : i32
      %dma_wait3A_54 = arith.constant 0 : i32
      %dma_wait3A_55 = tpu.memref_slice %arg5[%dma_wait3A_54] : memref<25600xi32, #tpu.memory_space<vmem>> -> memref<128xi32, #tpu.memory_space<vmem>>
      %dma_wait3A_56 = arith.constant 0 : i32
      %dma_wait3A_57 = arith.constant 0 : i32
      %dma_wait3A_58 = tpu.memref_slice %arg3[%dma_wait3A_56, %dma_wait3A_57] : memref<15514x256xf32, #tpu.memory_space<hbm>> -> memref<15514x256xf32, #tpu.memory_space<hbm>>
      tpu.wait_indirect_dma semaphore(%arg9 : memref<!tpu.dma_semaphore, #tpu.memory_space<semaphore_mem>>) src(%dma_wait3A_58 : memref<15514x256xf32, #tpu.memory_space<hbm>>) dst(%arg6 : memref<128x256xf32, #tpu.memory_space<vmem>>)
      %add3A_59 = arith.constant 0 : i32
      %add3A_60 = arith.addi %mul3A_53, %add3A_59 : i32
      %mul3A_61 = arith.constant 128 : i32
      %mul3A_62 = arith.muli %add3A_60, %mul3A_61 : i32
      %add3A_63 = arith.addi %mul3A_2, %mul3A_62 : i32
      %dma_start3A_64 = arith.constant 0 : i32
      %dma_start3A_65 = tpu.memref_slice %arg4[%add3A_63, %dma_start3A_64] : memref<819200x256xf32, #tpu.memory_space<hbm>> -> memref<128x256xf32, #tpu.memory_space<hbm>>
      %dma_start3A_66 = arith.constant 0 : i32
      %dma_start3A_67 = tpu.memref_slice %arg4[%add3A_63, %dma_start3A_66] : memref<819200x256xf32, #tpu.memory_space<hbm>> -> memref<128x256xf32, #tpu.memory_space<hbm>>
      tpu.enqueue_dma source(%arg6 : memref<128x256xf32, #tpu.memory_space<vmem>>) target(%dma_start3A_67 : memref<128x256xf32, #tpu.memory_space<hbm>>) target_semaphore(%arg12 : memref<!tpu.dma_semaphore, #tpu.memory_space<semaphore_mem>>)
      %dma_wait3A_68 = arith.constant 0 : i32
      %dma_wait3A_69 = tpu.memref_slice %arg5[%dma_wait3A_68] : memref<25600xi32, #tpu.memory_space<vmem>> -> memref<128xi32, #tpu.memory_space<vmem>>
      %dma_wait3A_70 = arith.constant 0 : i32
      %dma_wait3A_71 = arith.constant 0 : i32
      %dma_wait3A_72 = tpu.memref_slice %arg3[%dma_wait3A_70, %dma_wait3A_71] : memref<15514x256xf32, #tpu.memory_space<hbm>> -> memref<15514x256xf32, #tpu.memory_space<hbm>>
      tpu.wait_indirect_dma semaphore(%arg10 : memref<!tpu.dma_semaphore, #tpu.memory_space<semaphore_mem>>) src(%dma_wait3A_72 : memref<15514x256xf32, #tpu.memory_space<hbm>>) dst(%arg7 : memref<128x256xf32, #tpu.memory_space<vmem>>)
      %add3A_73 = arith.constant 1 : i32
      %add3A_74 = arith.addi %mul3A_53, %add3A_73 : i32
      %mul3A_75 = arith.constant 128 : i32
      %mul3A_76 = arith.muli %add3A_74, %mul3A_75 : i32
      %add3A_77 = arith.addi %mul3A_2, %mul3A_76 : i32
      %dma_start3A_78 = arith.constant 0 : i32
      %dma_start3A_79 = tpu.memref_slice %arg4[%add3A_77, %dma_start3A_78] : memref<819200x256xf32, #tpu.memory_space<hbm>> -> memref<128x256xf32, #tpu.memory_space<hbm>>
      %dma_start3A_80 = arith.constant 0 : i32
      %dma_start3A_81 = tpu.memref_slice %arg4[%add3A_77, %dma_start3A_80] : memref<819200x256xf32, #tpu.memory_space<hbm>> -> memref<128x256xf32, #tpu.memory_space<hbm>>
      tpu.enqueue_dma source(%arg7 : memref<128x256xf32, #tpu.memory_space<vmem>>) target(%dma_start3A_81 : memref<128x256xf32, #tpu.memory_space<hbm>>) target_semaphore(%arg13 : memref<!tpu.dma_semaphore, #tpu.memory_space<semaphore_mem>>)
      %dma_wait3A_82 = arith.constant 0 : i32
      %dma_wait3A_83 = tpu.memref_slice %arg5[%dma_wait3A_82] : memref<25600xi32, #tpu.memory_space<vmem>> -> memref<128xi32, #tpu.memory_space<vmem>>
      %dma_wait3A_84 = arith.constant 0 : i32
      %dma_wait3A_85 = arith.constant 0 : i32
      %dma_wait3A_86 = tpu.memref_slice %arg3[%dma_wait3A_84, %dma_wait3A_85] : memref<15514x256xf32, #tpu.memory_space<hbm>> -> memref<15514x256xf32, #tpu.memory_space<hbm>>
      tpu.wait_indirect_dma semaphore(%arg11 : memref<!tpu.dma_semaphore, #tpu.memory_space<semaphore_mem>>) src(%dma_wait3A_86 : memref<15514x256xf32, #tpu.memory_space<hbm>>) dst(%arg8 : memref<128x256xf32, #tpu.memory_space<vmem>>)
      %add3A_87 = arith.constant 2 : i32
      %add3A_88 = arith.addi %mul3A_53, %add3A_87 : i32
      %mul3A_89 = arith.constant 128 : i32
      %mul3A_90 = arith.muli %add3A_88, %mul3A_89 : i32
      %add3A_91 = arith.addi %mul3A_2, %mul3A_90 : i32
      %dma_start3A_92 = arith.constant 0 : i32
      %dma_start3A_93 = tpu.memref_slice %arg4[%add3A_91, %dma_start3A_92] : memref<819200x256xf32, #tpu.memory_space<hbm>> -> memref<128x256xf32, #tpu.memory_space<hbm>>
      %dma_start3A_94 = arith.constant 0 : i32
      %dma_start3A_95 = tpu.memref_slice %arg4[%add3A_91, %dma_start3A_94] : memref<819200x256xf32, #tpu.memory_space<hbm>> -> memref<128x256xf32, #tpu.memory_space<hbm>>
      tpu.enqueue_dma source(%arg8 : memref<128x256xf32, #tpu.memory_space<vmem>>) target(%dma_start3A_95 : memref<128x256xf32, #tpu.memory_space<hbm>>) target_semaphore(%arg14 : memref<!tpu.dma_semaphore, #tpu.memory_space<semaphore_mem>>)
      %dma_wait3A_96 = arith.constant 0 : i32
      %dma_wait3A_97 = tpu.memref_slice %arg4[%mul3A_2, %dma_wait3A_96] : memref<819200x256xf32, #tpu.memory_space<hbm>> -> memref<128x256xf32, #tpu.memory_space<hbm>>
      %dma_wait3A_98 = arith.constant 0 : i32
      %dma_wait3A_99 = tpu.memref_slice %arg4[%mul3A_2, %dma_wait3A_98] : memref<819200x256xf32, #tpu.memory_space<hbm>> -> memref<128x256xf32, #tpu.memory_space<hbm>>
      tpu.wait_dma2 semaphore(%arg12 : memref<!tpu.dma_semaphore, #tpu.memory_space<semaphore_mem>>) src(%arg6 : memref<128x256xf32, #tpu.memory_space<vmem>>) dst(%dma_wait3A_99 : memref<128x256xf32, #tpu.memory_space<hbm>>)
      %add3A_100 = arith.constant 3 : i32
      %add3A_101 = arith.addi %mul3A_53, %add3A_100 : i32
      %add3A_102 = arith.constant 0 : i32
      %add3A_103 = arith.addi %add3A_101, %add3A_102 : i32
      %lt3A = arith.constant 200 : i32
      %lt3A_104 = arith.cmpi slt, %add3A_103, %lt3A : i32
      %convert_element_type3A = arith.extui %lt3A_104 : i1 to i32
      %cond3A = arith.constant 0 : i32
      %cond3A_105 = arith.cmpi ne, %convert_element_type3A, %cond3A : i32
      scf.if %cond3A_105 {
        %add3A_132 = arith.constant 3 : i32
        %add3A_133 = arith.addi %mul3A_53, %add3A_132 : i32
        %add3A_134 = arith.constant 0 : i32
        %add3A_135 = arith.addi %add3A_133, %add3A_134 : i32
        %mul3A_136 = arith.constant 128 : i32
        %mul3A_137 = arith.muli %add3A_135, %mul3A_136 : i32
        %dma_start3A_138 = tpu.memref_slice %arg5[%mul3A_137] : memref<25600xi32, #tpu.memory_space<vmem>> -> memref<128xi32, #tpu.memory_space<vmem>>
        %dma_start3A_139 = arith.constant 0 : i32
        %dma_start3A_140 = arith.constant 0 : i32
        %dma_start3A_141 = tpu.memref_slice %arg3[%dma_start3A_139, %dma_start3A_140] : memref<15514x256xf32, #tpu.memory_space<hbm>> -> memref<15514x256xf32, #tpu.memory_space<hbm>>
        tpu.enqueue_indirect_dma source(%dma_start3A_141 : memref<15514x256xf32, #tpu.memory_space<hbm>>) target(%arg6 : memref<128x256xf32, #tpu.memory_space<vmem>>) offsets(%dma_start3A_138 : memref<128xi32, #tpu.memory_space<vmem>>) semaphore(%arg9 : memref<!tpu.dma_semaphore, #tpu.memory_space<semaphore_mem>>)
      } else {
      }
      %dma_wait3A_106 = arith.constant 0 : i32
      %dma_wait3A_107 = tpu.memref_slice %arg4[%mul3A_2, %dma_wait3A_106] : memref<819200x256xf32, #tpu.memory_space<hbm>> -> memref<128x256xf32, #tpu.memory_space<hbm>>
      %dma_wait3A_108 = arith.constant 0 : i32
      %dma_wait3A_109 = tpu.memref_slice %arg4[%mul3A_2, %dma_wait3A_108] : memref<819200x256xf32, #tpu.memory_space<hbm>> -> memref<128x256xf32, #tpu.memory_space<hbm>>
      tpu.wait_dma2 semaphore(%arg13 : memref<!tpu.dma_semaphore, #tpu.memory_space<semaphore_mem>>) src(%arg7 : memref<128x256xf32, #tpu.memory_space<vmem>>) dst(%dma_wait3A_109 : memref<128x256xf32, #tpu.memory_space<hbm>>)
      %add3A_110 = arith.constant 3 : i32
      %add3A_111 = arith.addi %mul3A_53, %add3A_110 : i32
      %add3A_112 = arith.constant 1 : i32
      %add3A_113 = arith.addi %add3A_111, %add3A_112 : i32
      %lt3A_114 = arith.constant 200 : i32
      %lt3A_115 = arith.cmpi slt, %add3A_113, %lt3A_114 : i32
      %convert_element_type3A_116 = arith.extui %lt3A_115 : i1 to i32
      %cond3A_117 = arith.constant 0 : i32
      %cond3A_118 = arith.cmpi ne, %convert_element_type3A_116, %cond3A_117 : i32
      scf.if %cond3A_118 {
        %add3A_132 = arith.constant 3 : i32
        %add3A_133 = arith.addi %mul3A_53, %add3A_132 : i32
        %add3A_134 = arith.constant 1 : i32
        %add3A_135 = arith.addi %add3A_133, %add3A_134 : i32
        %mul3A_136 = arith.constant 128 : i32
        %mul3A_137 = arith.muli %add3A_135, %mul3A_136 : i32
        %dma_start3A_138 = tpu.memref_slice %arg5[%mul3A_137] : memref<25600xi32, #tpu.memory_space<vmem>> -> memref<128xi32, #tpu.memory_space<vmem>>
        %dma_start3A_139 = arith.constant 0 : i32
        %dma_start3A_140 = arith.constant 0 : i32
        %dma_start3A_141 = tpu.memref_slice %arg3[%dma_start3A_139, %dma_start3A_140] : memref<15514x256xf32, #tpu.memory_space<hbm>> -> memref<15514x256xf32, #tpu.memory_space<hbm>>
        tpu.enqueue_indirect_dma source(%dma_start3A_141 : memref<15514x256xf32, #tpu.memory_space<hbm>>) target(%arg7 : memref<128x256xf32, #tpu.memory_space<vmem>>) offsets(%dma_start3A_138 : memref<128xi32, #tpu.memory_space<vmem>>) semaphore(%arg10 : memref<!tpu.dma_semaphore, #tpu.memory_space<semaphore_mem>>)
      } else {
      }
      %dma_wait3A_119 = arith.constant 0 : i32
      %dma_wait3A_120 = tpu.memref_slice %arg4[%mul3A_2, %dma_wait3A_119] : memref<819200x256xf32, #tpu.memory_space<hbm>> -> memref<128x256xf32, #tpu.memory_space<hbm>>
      %dma_wait3A_121 = arith.constant 0 : i32
      %dma_wait3A_122 = tpu.memref_slice %arg4[%mul3A_2, %dma_wait3A_121] : memref<819200x256xf32, #tpu.memory_space<hbm>> -> memref<128x256xf32, #tpu.memory_space<hbm>>
      tpu.wait_dma2 semaphore(%arg14 : memref<!tpu.dma_semaphore, #tpu.memory_space<semaphore_mem>>) src(%arg8 : memref<128x256xf32, #tpu.memory_space<vmem>>) dst(%dma_wait3A_122 : memref<128x256xf32, #tpu.memory_space<hbm>>)
      %add3A_123 = arith.constant 3 : i32
      %add3A_124 = arith.addi %mul3A_53, %add3A_123 : i32
      %add3A_125 = arith.constant 2 : i32
      %add3A_126 = arith.addi %add3A_124, %add3A_125 : i32
      %lt3A_127 = arith.constant 200 : i32
      %lt3A_128 = arith.cmpi slt, %add3A_126, %lt3A_127 : i32
      %convert_element_type3A_129 = arith.extui %lt3A_128 : i1 to i32
      %cond3A_130 = arith.constant 0 : i32
      %cond3A_131 = arith.cmpi ne, %convert_element_type3A_129, %cond3A_130 : i32
      scf.if %cond3A_131 {
        %add3A_132 = arith.constant 3 : i32
        %add3A_133 = arith.addi %mul3A_53, %add3A_132 : i32
        %add3A_134 = arith.constant 2 : i32
        %add3A_135 = arith.addi %add3A_133, %add3A_134 : i32
        %mul3A_136 = arith.constant 128 : i32
        %mul3A_137 = arith.muli %add3A_135, %mul3A_136 : i32
        %dma_start3A_138 = tpu.memref_slice %arg5[%mul3A_137] : memref<25600xi32, #tpu.memory_space<vmem>> -> memref<128xi32, #tpu.memory_space<vmem>>
        %dma_start3A_139 = arith.constant 0 : i32
        %dma_start3A_140 = arith.constant 0 : i32
        %dma_start3A_141 = tpu.memref_slice %arg3[%dma_start3A_139, %dma_start3A_140] : memref<15514x256xf32, #tpu.memory_space<hbm>> -> memref<15514x256xf32, #tpu.memory_space<hbm>>
        tpu.enqueue_indirect_dma source(%dma_start3A_141 : memref<15514x256xf32, #tpu.memory_space<hbm>>) target(%arg8 : memref<128x256xf32, #tpu.memory_space<vmem>>) offsets(%dma_start3A_138 : memref<128xi32, #tpu.memory_space<vmem>>) semaphore(%arg11 : memref<!tpu.dma_semaphore, #tpu.memory_space<semaphore_mem>>)
      } else {
      }
    }
    %scan3A_21 = arith.constant 66 : i32
    %dma_wait3A = arith.constant 0 : i32
    %dma_wait3A_22 = tpu.memref_slice %arg5[%dma_wait3A] : memref<25600xi32, #tpu.memory_space<vmem>> -> memref<128xi32, #tpu.memory_space<vmem>>
    %dma_wait3A_23 = arith.constant 0 : i32
    %dma_wait3A_24 = arith.constant 0 : i32
    %dma_wait3A_25 = tpu.memref_slice %arg3[%dma_wait3A_23, %dma_wait3A_24] : memref<15514x256xf32, #tpu.memory_space<hbm>> -> memref<15514x256xf32, #tpu.memory_space<hbm>>
    tpu.wait_indirect_dma semaphore(%arg9 : memref<!tpu.dma_semaphore, #tpu.memory_space<semaphore_mem>>) src(%dma_wait3A_25 : memref<15514x256xf32, #tpu.memory_space<hbm>>) dst(%arg6 : memref<128x256xf32, #tpu.memory_space<vmem>>)
    %add3A_26 = arith.constant 25344 : i32
    %add3A_27 = arith.addi %mul3A_2, %add3A_26 : i32
    %dma_start3A_28 = arith.constant 0 : i32
    %dma_start3A_29 = tpu.memref_slice %arg4[%add3A_27, %dma_start3A_28] : memref<819200x256xf32, #tpu.memory_space<hbm>> -> memref<128x256xf32, #tpu.memory_space<hbm>>
    %dma_start3A_30 = arith.constant 0 : i32
    %dma_start3A_31 = tpu.memref_slice %arg4[%add3A_27, %dma_start3A_30] : memref<819200x256xf32, #tpu.memory_space<hbm>> -> memref<128x256xf32, #tpu.memory_space<hbm>>
    tpu.enqueue_dma source(%arg6 : memref<128x256xf32, #tpu.memory_space<vmem>>) target(%dma_start3A_31 : memref<128x256xf32, #tpu.memory_space<hbm>>) target_semaphore(%arg12 : memref<!tpu.dma_semaphore, #tpu.memory_space<semaphore_mem>>)
    %dma_wait3A_32 = arith.constant 0 : i32
    %dma_wait3A_33 = tpu.memref_slice %arg5[%dma_wait3A_32] : memref<25600xi32, #tpu.memory_space<vmem>> -> memref<128xi32, #tpu.memory_space<vmem>>
    %dma_wait3A_34 = arith.constant 0 : i32
    %dma_wait3A_35 = arith.constant 0 : i32
    %dma_wait3A_36 = tpu.memref_slice %arg3[%dma_wait3A_34, %dma_wait3A_35] : memref<15514x256xf32, #tpu.memory_space<hbm>> -> memref<15514x256xf32, #tpu.memory_space<hbm>>
    tpu.wait_indirect_dma semaphore(%arg10 : memref<!tpu.dma_semaphore, #tpu.memory_space<semaphore_mem>>) src(%dma_wait3A_36 : memref<15514x256xf32, #tpu.memory_space<hbm>>) dst(%arg7 : memref<128x256xf32, #tpu.memory_space<vmem>>)
    %add3A_37 = arith.constant 25472 : i32
    %add3A_38 = arith.addi %mul3A_2, %add3A_37 : i32
    %dma_start3A_39 = arith.constant 0 : i32
    %dma_start3A_40 = tpu.memref_slice %arg4[%add3A_38, %dma_start3A_39] : memref<819200x256xf32, #tpu.memory_space<hbm>> -> memref<128x256xf32, #tpu.memory_space<hbm>>
    %dma_start3A_41 = arith.constant 0 : i32
    %dma_start3A_42 = tpu.memref_slice %arg4[%add3A_38, %dma_start3A_41] : memref<819200x256xf32, #tpu.memory_space<hbm>> -> memref<128x256xf32, #tpu.memory_space<hbm>>
    tpu.enqueue_dma source(%arg7 : memref<128x256xf32, #tpu.memory_space<vmem>>) target(%dma_start3A_42 : memref<128x256xf32, #tpu.memory_space<hbm>>) target_semaphore(%arg13 : memref<!tpu.dma_semaphore, #tpu.memory_space<semaphore_mem>>)
    %dma_wait3A_43 = arith.constant 0 : i32
    %dma_wait3A_44 = tpu.memref_slice %arg4[%mul3A_2, %dma_wait3A_43] : memref<819200x256xf32, #tpu.memory_space<hbm>> -> memref<128x256xf32, #tpu.memory_space<hbm>>
    %dma_wait3A_45 = arith.constant 0 : i32
    %dma_wait3A_46 = tpu.memref_slice %arg4[%mul3A_2, %dma_wait3A_45] : memref<819200x256xf32, #tpu.memory_space<hbm>> -> memref<128x256xf32, #tpu.memory_space<hbm>>
    tpu.wait_dma2 semaphore(%arg12 : memref<!tpu.dma_semaphore, #tpu.memory_space<semaphore_mem>>) src(%arg6 : memref<128x256xf32, #tpu.memory_space<vmem>>) dst(%dma_wait3A_46 : memref<128x256xf32, #tpu.memory_space<hbm>>)
    %dma_wait3A_47 = arith.constant 0 : i32
    %dma_wait3A_48 = tpu.memref_slice %arg4[%mul3A_2, %dma_wait3A_47] : memref<819200x256xf32, #tpu.memory_space<hbm>> -> memref<128x256xf32, #tpu.memory_space<hbm>>
    %dma_wait3A_49 = arith.constant 0 : i32
    %dma_wait3A_50 = tpu.memref_slice %arg4[%mul3A_2, %dma_wait3A_49] : memref<819200x256xf32, #tpu.memory_space<hbm>> -> memref<128x256xf32, #tpu.memory_space<hbm>>
    tpu.wait_dma2 semaphore(%arg13 : memref<!tpu.dma_semaphore, #tpu.memory_space<semaphore_mem>>) src(%arg7 : memref<128x256xf32, #tpu.memory_space<vmem>>) dst(%dma_wait3A_50 : memref<128x256xf32, #tpu.memory_space<hbm>>)
    return
  }
}

</mosaic_0001>

<sc_bundles>
// kernel: kernel.3.cloned.1.call-start
scs
__scs_entry_jumppad:
0x0: {  	(pc) =	sbr.rel $0x88, $3  }
0x1: {  	(tag) =	ssettag $0x0;
	lr =	simm.s32 $0x1  }
0x2: {  	[smem:$0x3F9F] =	sst lr;
	_ =	strace $0xD0000000  }
0x3: {  	_ = 	snop  }
0x4: {  	_ = 	snop  }
0x5: {  	_ = 	snop  }
0x6: {  	_ = 	snop  }
0x7: {  	_ = 	snop  }
__scs_overlays_trampoline_lowered:
0x8: {  	[smem:$0x3FAE] =	sst s0  }
0x9: {  	[smem:$0x3FAF] =	sst s1  }
0xa: {  	[smem:$0x3FB0] =	sst s2  }
0xb: {  	[smem:$0x3FB1] =	sst s3  }
0xc: {  	[smem:$0x3FB2] =	sst s4  }
0xd: {  	[smem:$0x3FB3] =	sst s5  }
0xe: {  	[smem:$0x3FB4] =	sst s6  }
0xf: {  	[smem:$0x3FB5] =	sst s7  }
0x10: {  	[smem:$0x3FB6] =	sst s8  }
0x11: {  	[smem:$0x3FB7] =	sst s9;
	s0 =	simm.s32 @!p0 $0x0  }
0x12: {  	s1 =	sld [smem:$0x3F9D];
	s0 =	simm.s32 @p0 $0x1  }
0x13: {  	[smem:$0x3FB8] =	sst s0;
	s0 =	simm.s32 @!p1 $0x0  }
0x14: {  	s2 =	sld [smem:$0x3F9C];
	s0 =	simm.s32 @p1 $0x1  }
0x15: {  	[smem:$0x3FB9] =	sst s0;
	s0 =	simm.s32 @!p2 $0x0  }
0x16: {  	s3 =	sld [smem:$0x3FDB];
	s0 =	simm.s32 @p2 $0x1  }
0x17: {  	s4 =	simm.s32 $0x1BF5;
	[smem:$0x3FBB] =	sst s0  }
0x18: {  	s0 =	sld [smem:$0x3F9E];
	_ =	swait.ge [sflag:s4], $0x0  }
0x19: {  	s7 =	sld [smem:$0x3F9F]  }
0x1a: {  	s8 =	sadd.s32 $0xFFFFE003, lr  }
0x1b: {  	s9 =	sadd.s32 $0xFFFFFEF7, lr;
	s5 =	simm.s32 $0xFFFFFFFF;
	p2 =	slt.u32 s8, $0xFFFFF086  }
0x1c: {  	p1 =	slt.u32 s9, $0xF7A;
	s5 =	simm.s32 @!p2 $0x0  }
0x1d: {  	s5 =	simm.s32 @p1 $0x1;
	p0 =	seq.s32 s7, s2  }
0x1e: {  	s7 =	smul.u32 @!p0 $0xF7A, s2;
	p2 =	seq.s32 @!p0 s5, $0x0  }
0x1f: {  	s9 =	smul.u32 $0xF7A, s1;
	s8 =	simm.s32 @!p0 $0x1BF5;
	p2 =	por !p2, p0  }
0x20: {  	[sflag:s8] =	ssyncset.s32 @!p0 $0xFFFFF086;
	s6 =	sadd.s32 @!p0 s3, s7;
	s7 =	simm.s32 @!p0 $0x108  }
0x21: {  	s3 =	sadd.s32 s3, s9;
	s6 =	sadd.s32 @!p0 $0x88, s6;
	s7 =	simm.s32 @p2 $0x1082  }
0x22: {  	[simem:s7], [sflag:s8] =	dma.local @!p0 [hbm:s6], $0xF7A  }
0x23: {  	s9 =	sor.u32 $0xD0000000, s2;
	s6 =	simm.s32 $0x108;
	_ =	swait.ge @!p0 [sflag:s8], $0x0  }
0x24: {  	s3 =	sadd.s32 $0x88, s3;
	s6 =	simm.s32 @!p1 $0x1082;
	[sflag:s4] =	ssyncset.s32 $0xFFFFF086  }
0x25: {  	[simem:s6], [sflag:s4] =	dma.local [hbm:s3], $0xF7A  }
0x26: {  	[smem:$0x3F9F] =	sst s1;
	(tag) =	ssettag s2;
	_ =	strace s9  }
0x27: {  	s1 =	sld [smem:$0x3FAF]  }
0x28: {  	s2 =	sld [smem:$0x3FB0]  }
0x29: {  	s4 =	sld [smem:$0x3FB2]  }
0x2a: {  	p0 =	seq.s32 s5, $0x0;
	s5 =	sld [smem:$0x3FB3]  }
0x2b: {  	s6 =	sld [smem:$0x3FB4]  }
0x2c: {  	s7 =	sld [smem:$0x3FB5]  }
0x2d: {  	s3 =	simm.s32 $0x108;
	s8 =	sld [smem:$0x3FB6]  }
0x2e: {  	s3 =	simm.s32 @!p0 $0x1082;
	s9 =	sld [smem:$0x3FB7]  }
0x2f: {  	lr =	sadd.s32 s0, s3;
	s0 =	sld [smem:$0x3FAE]  }
0x30: {  	s3 =	sld [smem:$0x3FB1]  }
0x31: {  	[smem:$0x3FBA] =	sst s10  }
0x32: {  	s10 =	sld [smem:$0x3FB8];
	_ =	sdelay $0x3  }
0x33: {  	p0 =	seq.s32 s10, $0x1;
	s10 =	sld [smem:$0x3FBA];
	_ =	sdelay $0x3  }
0x34: {  	[smem:$0x3FBA] =	sst s10  }
0x35: {  	s10 =	sld [smem:$0x3FB9];
	_ =	sdelay $0x3  }
0x36: {  	p1 =	seq.s32 s10, $0x1;
	s10 =	sld [smem:$0x3FBA];
	_ =	sdelay $0x3  }
0x37: {  	[smem:$0x3FBA] =	sst s10  }
0x38: {  	s10 =	sld [smem:$0x3FBB]  }
0x39: {  	_ = 	snop;
	(pc) =	sbr.ind lr, $3  }
0x3a: {  	_ = 	snop  }
0x3b: {  	_ = 	snop  }
0x3c: {  	p2 =	seq.s32 s10, $0x1;
	s10 =	sld [smem:$0x3FBA]  }
0x3d: {  	_ =	shalt  }
0x3e: {  	_ =	shalt  }
0x3f: {  	_ =	shalt  }
0x40: {  	_ =	shalt  }
0x41: {  	_ =	shalt  }
0x42: {  	_ =	shalt  }
0x43: {  	_ =	shalt  }
0x44: {  	_ =	shalt  }
0x45: {  	_ =	shalt  }
0x46: {  	_ =	shalt  }
0x47: {  	_ =	shalt  }
0x48: {  	_ =	shalt  }
0x49: {  	_ =	shalt  }
0x4a: {  	_ =	shalt  }
0x4b: {  	_ =	shalt  }
0x4c: {  	_ =	shalt  }
0x4d: {  	_ =	shalt  }
0x4e: {  	_ =	shalt  }
0x4f: {  	_ =	shalt  }
0x50: {  	_ =	shalt  }
0x51: {  	_ =	shalt  }
0x52: {  	_ =	shalt  }
0x53: {  	_ =	shalt  }
0x54: {  	_ =	shalt  }
0x55: {  	_ =	shalt  }
0x56: {  	_ =	shalt  }
0x57: {  	_ =	shalt  }
0x58: {  	_ =	shalt  }
0x59: {  	_ =	shalt  }
0x5a: {  	_ =	shalt  }
0x5b: {  	_ =	shalt  }
0x5c: {  	_ =	shalt  }
0x5d: {  	_ =	shalt  }
0x5e: {  	_ =	shalt  }
0x5f: {  	_ =	shalt  }
0x60: {  	_ =	shalt  }
0x61: {  	_ =	shalt  }
0x62: {  	_ =	shalt  }
0x63: {  	_ =	shalt  }
0x64: {  	_ =	shalt  }
0x65: {  	_ =	shalt  }
0x66: {  	_ =	shalt  }
0x67: {  	_ =	shalt  }
0x68: {  	_ =	shalt  }
0x69: {  	_ =	shalt  }
0x6a: {  	_ =	shalt  }
0x6b: {  	_ =	shalt  }
0x6c: {  	_ =	shalt  }
0x6d: {  	_ =	shalt  }
0x6e: {  	_ =	shalt  }
0x6f: {  	_ =	shalt  }
0x70: {  	_ =	shalt  }
0x71: {  	_ =	shalt  }
0x72: {  	_ =	shalt  }
0x73: {  	_ =	shalt  }
0x74: {  	_ =	shalt  }
0x75: {  	_ =	shalt  }
0x76: {  	_ =	shalt  }
0x77: {  	_ =	shalt  }
0x78: {  	_ =	shalt  }
0x79: {  	_ =	shalt  }
0x7a: {  	_ =	shalt  }
0x7b: {  	_ =	shalt  }
0x7c: {  	_ =	shalt  }
0x7d: {  	_ =	shalt  }
0x7e: {  	_ =	shalt  }
0x7f: {  	_ =	shalt  }
0x80: {  	_ =	shalt  }
0x81: {  	_ =	shalt  }
0x82: {  	_ =	shalt  }
0x83: {  	_ =	shalt  }
0x84: {  	_ =	shalt  }
0x85: {  	_ =	shalt  }
0x86: {  	_ =	shalt  }
0x87: {  	_ =	shalt  }
.Lfunc_end0:
.L_simem_size_0:
called_computation_lowered:
.L_overlay_start_0:
0x88: {  	s2 =	sld [smem:$0x3FD9]  }
0x89: {  	s3 =	sld [smem:$0x3FFE];
	_ =	sdelay $0x1  }
0x8a: {  	s1 =	srdreg.scid  }
0x8b: {  	s0 =	sand.u32 $0x1, s1  }
0x8c: {  	s17 =	sshll.u32 s0, $0xA;
	s2 =	sadd.s32 s3, s2  }
0x8d: {  	s2 =	sadd.s32 s2, s17  }
0x8e: {  	[smem:$0x3FC6] =	sst s2  }
0x8f: {  	_ = 	snop  }
0x90: {  	s2 =	sld [smem:$0x3FC8]  }
0x91: {  	s18 =	sld [smem:$0x3FD0];
	(tm) =	ssettm $0x1  }
0x92: {  	s4 =	sld [smem:$0x3FFB];
	_ =	sdelay $0x3  }
0x93: {  	_ =	strace s4  }
0x94: {  	s4 =	sld [smem:$0x3FFC];
	_ =	sdelay $0x3  }
0x95: {  	_ =	strace s4  }
0x96: {  	s4 =	sld [smem:$0x3FFD];
	_ =	sdelay $0x3  }
0x97: {  	_ =	strace s4  }
0x98: {  	_ =	strace $0x8FFFFFFF  }
0x99: {  	s19 =	sld [smem:$0x3FDB];
	_ =	sdelay $0x1  }
0x9a: {  	s5 =	simm.s32 $_scs_section_size  }
0x9b: {  	s6 =	simm.s32 $_size__tile_overlayer_lowered;
	s7 =	simm.s32 $_tile_overlayer_lowered  }
0x9c: {  	s22 =	simm.s32 $0x1BFF;
	s21 =	sshll.u32 s7, $0x1;
	s4 =	sadd.s32 s5, s19  }
0x9d: {  	s8 =	simm.s32 $0x0;
	s20 =	sshll.u32 s6, $0x1;
	s6 =	sadd.s32 s21, s4  }
0x9e: {  	[timem:s8], [sflag:s22] =	dma.local [hbm:s6], s20  }
0x9f: {  	_ =	swait.ge [sflag:s22], s20  }
0xa0: {  	s5 =	ssub.s32 $0x0, s20;
	[sflag:s22] =	ssyncset.done $0x0  }
0xa1: {  	[sflag:s22] =	ssyncadd.s32 s5;
	_ =	sdelay $0x1  }
0xa2: {  	s23 =	simm.s32 $0x1B8B  }
0xa3: {  	_ =	swait.ge [sflag:s23], $0x1  }
0xa4: {  	[sflag:s23] =	ssyncset.done $0x0  }
0xa5: {  	s25 =	simm.s32 $0x1B8E;
	s24 =	sld [smem:$0x3FFE];
	[sflag:s23] =	ssyncadd.s32 $0xFFFFFFFF  }
0xa6: {  	s26 =	simm.s32 $execute0_lowered;
	[smem:$0x3FD2] =	sst s25  }
0xa7: {  	s6 =	sshll.u32 s26, $0x1;
	_ =	strace $0x80000046;
	[dreg:$0x1] =	wrdreg $0xFFFFFFFF  }
0xa8: {  	s28 =	simm.s32 $_size_execute0_lowered;
	s4 =	sadd.s32 s4, s6;
	[dreg:$0x0] =	wrdreg $0x0  }
0xa9: {  	s6 =	sshll.u32 s28, $0x1;
	[dreg:$0x2] =	wrdreg s4  }
0xaa: {  	[dreg:$0x3] =	wrdreg s6  }
0xab: {  	[dreg:$0x4] =	wrdreg $0xC0  }
0xac: {  	_ =	task [dreg:s8], $0x5FFFF  }
0xad: {  	[dreg:$0x1] =	wrdreg $0xFFFFFFFF  }
0xae: {  	[dreg:$0x0] =	wrdreg $0x60  }
0xaf: {  	[dreg:$0x2] =	wrdreg s24  }
0xb0: {  	[dreg:$0x3] =	wrdreg s2  }
0xb1: {  	[dreg:$0x4] =	wrdreg s18  }
0xb2: {  	[dreg:$0x5] =	wrdreg $0x9  }
0xb3: {  	_ =	task.clear_ibuf [dreg:s8], $0x6FFFF;
	_ =	strace $0x90000046  }
0xb4: {  	s29 =	simm.s32 $0x9;
	_ =	strace $0x80000048  }
0xb5: {  	_ =	swait.ge [sflag:s29], $0x1  }
0xb6: {  	[sflag:s29] =	ssyncadd.s32 $0xFFFFFFFF  }
0xb7: {  	_ =	strace $0x90000048  }
0xb8: {  	_ =	sfence  }
0xb9: {  	s30 =	sld [smem:$0x0];
	_ =	sdelay $0x2  }
0xba: {  	s31 =	sshll.u32 s1, $0xD;
	s1 =	sshrl.u32 s1, $0x2  }
0xbb: {  	s3 =	sand.u32 $0x4000, s31;
	s1 =	sadd.s32 s1, s30  }
0xbc: {  	s0 =	sor.u32 s3, s0;
	s1 =	sshll.u32 s1, $0x11  }
0xbd: {  	s0 =	sor.u32 s1, s0  }
0xbe: {  	s0 =	sadd.s32 $0x8F2B, s0  }
0xbf: {  	[sflag:s0] =	ssyncadd.remote.s32 $0x1  }
0xc0: {  	_ =	sfence.sel $0xFFFF  }
0xc1: {  	[dreg:$0x0] =	wrdreg $0xFFFFFFFF;
	(pc) =	sbr.abs _section_cstart, $3  }
0xc2: {  	[dreg:$0x1] =	wrdreg $0xFFFFFFFF  }
0xc3: {  	_ =	task.clear_ibuf [dreg:s8], $0x2FFFF;
	_ =	strace $0x9FFFFFFF  }
0xc4: {  	(tm) =	ssettm $0x7FFFFFFF  }
0xc5: {  	_ =	shalt  }
tec
execute0_lowered:
.L_overlay_start_1:
0x0: {  	(tag) =	ssettag $0x1  }
0x1: {  	s0 =	rddreg [dreg:$0x0];
	s1 =	srdreg.scid  }
0x2: {  	s8 =	stileid.u32;
	s2 =	rddreg [dreg:$0x1]  }
0x3: {  	s4 =	rddreg [dreg:$0x2];
	s10 =	simm.s32 $0x6400;
	s9 =	simm.s32 $0x13C00  }
0x4: {  	s11 =	simm.s32 $0x14400;
	s12 =	simm.s32 $0x14C00;
	s13 =	simm.s32 $0x15400  }
0x5: {  	s14 =	simm.s32 $0x15C00;
	s15 =	simm.s32 $0x16400;
	s17 =	simm.s32 $0x1BC00  }
0x6: {  	s18 =	simm.s32 $0x1CC00;
	s19 =	simm.s32 $0x1D400;
	s28 =	simm.s32 $0x1DC00  }
0x7: {  	s29 =	simm.s32 $0x2;
	s30 =	simm.s32 $0x4;
	s31 =	simm.s32 $0x6  }
0x8: {  	s1 =	sand.u32 $0x1, s1;
	s3 =	sshll.u32 s8, $0x1;
	s21 =	smul.u32 $0x190000, s8  }
0x9: {  	s5 =	sor.u32 s1, s3;
	s3 =	simm.s32 $0x0;
	s23 =	smul.u32 $0xC8000, s1  }
0xa: {  	s7 =	ssub.s32 $0x2, s1;
	s1 =	simm.s32 $0x0;
	s6 =	smul.u32 $0x6400, s5  }
0xb: {  	[smem:$0x7FF] =	sst s3;
	s5 =	smul.u32 $0x640000, s5;
	s20 =	sshrl.u32 s7, $0x1  }
0xc: {  	s26 =	sadd.s32 s21, s4;
	s21 =	simm.s32 $0x3;
	_ =	strace $0x80000047  }
0xd: {  	s8 =	sadd.s32 s23, s26;
	s26 =	simm.s32 $0xE400;
	s6 =	sshrl.u32 s6, $0x3  }
0xe: {  	s5 =	sshrl.u32 s5, $0x3;
	s0 =	sadd.s32 s6, s0;
	s6 =	ssub.s32 s7, s20  }
0xf: {  	s5 =	sadd.s32 s4, s5;
	s4 =	simm.s32 $0x11C00;
	s0 =	sadd.s32 $0x400, s0  }
.Ltmp0:
0x10: {  	s22 =	sadd.s32 $0xC6000, s5;
	[dreg:$0x4] =	wrdreg s0;
	(pc) =	sbr.rel .LBB2_1-.Ltmp0, $4  }
0x11: {  	s7 =	simm.s32 $0x13400;
	s24 =	sadd.s32 $0xC7000, s5;
	[dreg:$0x5] =	wrdreg s22  }
0x12: {  	v2 =	vlaneseq.u32;
	s20 =	simm.s32 $0x1;
	s25 =	smax.u32 s6, $0x1;
	[dreg:$0x6] =	wrdreg s24  }
0x13: {  	vm0 =	vmmov $0xffff;
	v1 =	vshrl.u32 v2, $0x3;
	s5 =	simm.s32 $0x12400;
	s6 =	simm.s32 $0x12C00;
	[dreg:$0x7] =	wrdreg s25  }
0x14: {  	v0 =	vand.u32 $0x7, v2;
	v2 =	vor.u32 $0x8, v2;
	v1 =	vmul.u32 $0x8, v1;
	s24 =	simm.s32 $0x1B400;
	s25 =	simm.s32 $0x1C400;
	s22 =	simm.s32 $0x5  }
.LBB2_4:
0x15: {  	_ =	swait.ge [sflag:s20], $0x8000  }
0x16: {  	[sflag:s20] =	ssyncset.done $0x0  }
0x17: {  	s0 =	rddreg [dreg:$0x5];
	[sflag:s20] =	ssyncadd.s32 $0xFFFF8000  }
0x18: {  	[hbm4b:s0+s3] =	stream.linear.scatter [tilespmem:s10], [sflag:$0x4], $0x8000, $0x38;
	[tilespmem:$0x1E400] =	vst v63  }
0x19: {  	_ =	swait.ge [sflag:s29], $0x8000  }
0x1a: {  	[sflag:s29] =	ssyncset.done $0x0  }
0x1b: {  	s16 =	rddreg [dreg:$0x6];
	[sflag:s29] =	ssyncadd.s32 $0xFFFF8000  }
0x1c: {  	[hbm4b:s16+s3] =	stream.linear.scatter [tilespmem:s26], [sflag:$0x5], $0x8000, $0x38;
	[tilespmem:$0x1E400] =	vst v63  }
0x1d: {  	_ =	swait.ge [sflag:s30], $0x8000  }
0x1e: {  	[sflag:s30] =	ssyncset.done $0x0  }
0x1f: {  	[sflag:s30] =	ssyncadd.s32 $0xFFFF8000  }
0x20: {  	_ =	swait.ge [sflag:s22], $0x8000  }
0x21: {  	s1 =	rddreg [dreg:$0x8]  }
0x22: {  	s23 =	rddreg [dreg:$0x7];
	s1 =	sadd.s32 $0x1, s1  }
0x23: {  	p0 =	sne.s32 s1, s23  }
.Ltmp1:
0x24: {  	_ = 	snop;
	(pc) =	sbr.rel @!p0 .LBB2_5-.Ltmp1, $3  }
0x25: {  	_ =	sdelay $0x1  }
0x26: {  	[sflag:s22] =	ssyncset.done $0x0  }
0x27: {  	[sflag:s22] =	ssyncadd.s32 $0xFFFF8000  }
.LBB2_1:
0x28: {  	[dreg:$0x8] =	wrdreg s1  }
0x29: {  	s0 =	rddreg [dreg:$0x4];
	s23 =	simm.s32 $0x7  }
0x2a: {  	[tilespmem:s3], [sflag:$0x7] =	stream.linear.gather [hbm4b:s0+s3], $0x6400, $0x38;
	[tilespmem:$0x1E400] =	vst v63  }
0x2b: {  	_ =	swait.ge [sflag:s23], $0x6400  }
0x2c: {  	[sflag:s23] =	ssyncset.done $0x0  }
0x2d: {  	[sflag:s23] =	ssyncadd.s32 $0xFFFF9C00  }
0x2e: {  	v3 =	vld [tilespmem:$0x0];
	_ =	sdelay $0x4  }
0x2f: {  	v4 =	vshll.u32 v3, $0x1  }
0x30: {  	v3 =	vand.u32 $0x7, v3;
	v4 =	vand.u32 $0xFFFFFFF0, v4  }
0x31: {  	v3 =	vor.u32 v3, v4  }
0x32: {  	v4 =	vperm.xlane v3, v0;
	_ =	sdelay $0x1  }
0x33: {  	v3 =	vperm.xlane v3, v2;
	v4 =	vadd.s32 v1, v4;
	_ =	sdelay $0x1  }
0x34: {  	v3 =	vadd.s32 v1, v3;
	_ =	sdelay $0x2  }
0x35: {  	[tilespmem:s10], [sflag:$0x1] =	stream.indirect_vreg.gather [hbm4b:s2+s3], $0x80, v4, vm0, $0xb8;
	[tilespmem:$0x1E400] =	vst v63  }
0x36: {  	s1 =	simm.s32 $0x6C00  }
0x37: {  	[tilespmem:s1], [sflag:$0x1] =	stream.indirect_vreg.gather [hbm4b:s2+s3], $0x80, v3, vm0, $0xb8;
	[tilespmem:$0x1E400] =	vst v63  }
0x38: {  	v3 =	vld [tilespmem:$0x10];
	_ =	sdelay $0x4  }
0x39: {  	v41 =	vshll.u32 v3, $0x1  }
0x3a: {  	v3 =	vand.u32 $0x7, v3;
	v4 =	vand.u32 $0xFFFFFFF0, v41  }
0x3b: {  	v3 =	vor.u32 v3, v4  }
0x3c: {  	v4 =	vperm.xlane v3, v0;
	_ =	sdelay $0x1  }
0x3d: {  	v3 =	vperm.xlane v3, v2;
	v4 =	vadd.s32 v1, v4;
	_ =	sdelay $0x1  }
0x3e: {  	v3 =	vadd.s32 v1, v3;
	_ =	sdelay $0x1  }
0x3f: {  	s16 =	simm.s32 $0x7400  }
0x40: {  	[tilespmem:s16], [sflag:$0x1] =	stream.indirect_vreg.gather [hbm4b:s2+s3], $0x80, v4, vm0, $0xb8;
	[tilespmem:$0x1E400] =	vst v63  }
0x41: {  	s23 =	simm.s32 $0x7C00  }
0x42: {  	[tilespmem:s23], [sflag:$0x1] =	stream.indirect_vreg.gather [hbm4b:s2+s3], $0x80, v3, vm0, $0xb8;
	[tilespmem:$0x1E400] =	vst v63  }
0x43: {  	v3 =	vld [tilespmem:$0x20];
	_ =	sdelay $0x4  }
0x44: {  	v42 =	vshll.u32 v3, $0x1  }
0x45: {  	v3 =	vand.u32 $0x7, v3;
	v4 =	vand.u32 $0xFFFFFFF0, v42  }
0x46: {  	v3 =	vor.u32 v3, v4  }
0x47: {  	v4 =	vperm.xlane v3, v0;
	_ =	sdelay $0x1  }
0x48: {  	v3 =	vperm.xlane v3, v2;
	v4 =	vadd.s32 v1, v4;
	_ =	sdelay $0x1  }
0x49: {  	v3 =	vadd.s32 v1, v3;
	_ =	sdelay $0x1  }
0x4a: {  	s1 =	simm.s32 $0x8400  }
0x4b: {  	[tilespmem:s1], [sflag:$0x1] =	stream.indirect_vreg.gather [hbm4b:s2+s3], $0x80, v4, vm0, $0xb8;
	[tilespmem:$0x1E400] =	vst v63  }
0x4c: {  	s16 =	simm.s32 $0x8C00  }
0x4d: {  	[tilespmem:s16], [sflag:$0x1] =	stream.indirect_vreg.gather [hbm4b:s2+s3], $0x80, v3, vm0, $0xb8;
	[tilespmem:$0x1E400] =	vst v63  }
0x4e: {  	v3 =	vld [tilespmem:$0x30];
	_ =	sdelay $0x4  }
0x4f: {  	v43 =	vshll.u32 v3, $0x1  }
0x50: {  	v3 =	vand.u32 $0x7, v3;
	v4 =	vand.u32 $0xFFFFFFF0, v43  }
0x51: {  	v3 =	vor.u32 v3, v4  }
0x52: {  	v4 =	vperm.xlane v3, v0;
	_ =	sdelay $0x1  }
0x53: {  	v3 =	vperm.xlane v3, v2;
	v4 =	vadd.s32 v1, v4;
	_ =	sdelay $0x1  }
0x54: {  	v3 =	vadd.s32 v1, v3;
	_ =	sdelay $0x1  }
0x55: {  	s23 =	simm.s32 $0x9400  }
0x56: {  	[tilespmem:s23], [sflag:$0x1] =	stream.indirect_vreg.gather [hbm4b:s2+s3], $0x80, v4, vm0, $0xb8;
	[tilespmem:$0x1E400] =	vst v63  }
0x57: {  	s1 =	simm.s32 $0x9C00  }
0x58: {  	[tilespmem:s1], [sflag:$0x1] =	stream.indirect_vreg.gather [hbm4b:s2+s3], $0x80, v3, vm0, $0xb8;
	[tilespmem:$0x1E400] =	vst v63  }
0x59: {  	v3 =	vld [tilespmem:$0x40];
	_ =	sdelay $0x4  }
0x5a: {  	v44 =	vshll.u32 v3, $0x1  }
0x5b: {  	v3 =	vand.u32 $0x7, v3;
	v4 =	vand.u32 $0xFFFFFFF0, v44  }
0x5c: {  	v3 =	vor.u32 v3, v4  }
0x5d: {  	v4 =	vperm.xlane v3, v0;
	_ =	sdelay $0x1  }
0x5e: {  	v3 =	vperm.xlane v3, v2;
	v4 =	vadd.s32 v1, v4;
	_ =	sdelay $0x1  }
0x5f: {  	v3 =	vadd.s32 v1, v3;
	_ =	sdelay $0x1  }
0x60: {  	s16 =	simm.s32 $0xA400  }
0x61: {  	[tilespmem:s16], [sflag:$0x1] =	stream.indirect_vreg.gather [hbm4b:s2+s3], $0x80, v4, vm0, $0xb8;
	[tilespmem:$0x1E400] =	vst v63  }
0x62: {  	s23 =	simm.s32 $0xAC00  }
0x63: {  	[tilespmem:s23], [sflag:$0x1] =	stream.indirect_vreg.gather [hbm4b:s2+s3], $0x80, v3, vm0, $0xb8;
	[tilespmem:$0x1E400] =	vst v63  }
0x64: {  	v3 =	vld [tilespmem:$0x50];
	_ =	sdelay $0x4  }
0x65: {  	v45 =	vshll.u32 v3, $0x1  }
0x66: {  	v3 =	vand.u32 $0x7, v3;
	v4 =	vand.u32 $0xFFFFFFF0, v45  }
0x67: {  	v3 =	vor.u32 v3, v4  }
0x68: {  	v4 =	vperm.xlane v3, v0;
	_ =	sdelay $0x1  }
0x69: {  	v3 =	vperm.xlane v3, v2;
	v4 =	vadd.s32 v1, v4;
	_ =	sdelay $0x1  }
0x6a: {  	v3 =	vadd.s32 v1, v3;
	_ =	sdelay $0x1  }
0x6b: {  	s1 =	simm.s32 $0xB400  }
0x6c: {  	[tilespmem:s1], [sflag:$0x1] =	stream.indirect_vreg.gather [hbm4b:s2+s3], $0x80, v4, vm0, $0xb8;
	[tilespmem:$0x1E400] =	vst v63  }
0x6d: {  	s16 =	simm.s32 $0xBC00  }
0x6e: {  	[tilespmem:s16], [sflag:$0x1] =	stream.indirect_vreg.gather [hbm4b:s2+s3], $0x80, v3, vm0, $0xb8;
	[tilespmem:$0x1E400] =	vst v63  }
0x6f: {  	v3 =	vld [tilespmem:$0x60];
	_ =	sdelay $0x4  }
0x70: {  	v46 =	vshll.u32 v3, $0x1  }
0x71: {  	v3 =	vand.u32 $0x7, v3;
	v4 =	vand.u32 $0xFFFFFFF0, v46  }
0x72: {  	v3 =	vor.u32 v3, v4  }
0x73: {  	v4 =	vperm.xlane v3, v0;
	_ =	sdelay $0x1  }
0x74: {  	v3 =	vperm.xlane v3, v2;
	v4 =	vadd.s32 v1, v4;
	_ =	sdelay $0x1  }
0x75: {  	v3 =	vadd.s32 v1, v3;
	_ =	sdelay $0x1  }
0x76: {  	s23 =	simm.s32 $0xC400  }
0x77: {  	[tilespmem:s23], [sflag:$0x1] =	stream.indirect_vreg.gather [hbm4b:s2+s3], $0x80, v4, vm0, $0xb8;
	[tilespmem:$0x1E400] =	vst v63  }
0x78: {  	s1 =	simm.s32 $0xCC00  }
0x79: {  	[tilespmem:s1], [sflag:$0x1] =	stream.indirect_vreg.gather [hbm4b:s2+s3], $0x80, v3, vm0, $0xb8;
	[tilespmem:$0x1E400] =	vst v63  }
0x7a: {  	v3 =	vld [tilespmem:$0x70];
	_ =	sdelay $0x4  }
0x7b: {  	v47 =	vshll.u32 v3, $0x1  }
0x7c: {  	v3 =	vand.u32 $0x7, v3;
	v4 =	vand.u32 $0xFFFFFFF0, v47  }
0x7d: {  	v3 =	vor.u32 v3, v4  }
0x7e: {  	v4 =	vperm.xlane v3, v0;
	_ =	sdelay $0x1  }
0x7f: {  	v3 =	vperm.xlane v3, v2;
	v4 =	vadd.s32 v1, v4;
	_ =	sdelay $0x1  }
0x80: {  	v3 =	vadd.s32 v1, v3;
	_ =	sdelay $0x1  }
0x81: {  	s16 =	simm.s32 $0xD400  }
0x82: {  	[tilespmem:s16], [sflag:$0x1] =	stream.indirect_vreg.gather [hbm4b:s2+s3], $0x80, v4, vm0, $0xb8;
	[tilespmem:$0x1E400] =	vst v63  }
0x83: {  	s23 =	simm.s32 $0xDC00  }
0x84: {  	[tilespmem:s23], [sflag:$0x1] =	stream.indirect_vreg.gather [hbm4b:s2+s3], $0x80, v3, vm0, $0xb8;
	[tilespmem:$0x1E400] =	vst v63  }
0x85: {  	v3 =	vld [tilespmem:$0x80];
	_ =	sdelay $0x4  }
0x86: {  	v48 =	vshll.u32 v3, $0x1  }
0x87: {  	v3 =	vand.u32 $0x7, v3;
	v4 =	vand.u32 $0xFFFFFFF0, v48  }
0x88: {  	v3 =	vor.u32 v3, v4  }
0x89: {  	v4 =	vperm.xlane v3, v0;
	_ =	sdelay $0x1  }
0x8a: {  	v3 =	vperm.xlane v3, v2;
	v4 =	vadd.s32 v1, v4;
	_ =	sdelay $0x1  }
0x8b: {  	v3 =	vadd.s32 v1, v3;
	_ =	sdelay $0x2  }
0x8c: {  	[tilespmem:s26], [sflag:$0x2] =	stream.indirect_vreg.gather [hbm4b:s2+s3], $0x80, v4, vm0, $0xb8;
	[tilespmem:$0x1E400] =	vst v63  }
0x8d: {  	s1 =	simm.s32 $0xEC00  }
0x8e: {  	[tilespmem:s1], [sflag:$0x2] =	stream.indirect_vreg.gather [hbm4b:s2+s3], $0x80, v3, vm0, $0xb8;
	[tilespmem:$0x1E400] =	vst v63  }
0x8f: {  	v3 =	vld [tilespmem:$0x90];
	_ =	sdelay $0x4  }
0x90: {  	v49 =	vshll.u32 v3, $0x1  }
0x91: {  	v3 =	vand.u32 $0x7, v3;
	v4 =	vand.u32 $0xFFFFFFF0, v49  }
0x92: {  	v3 =	vor.u32 v3, v4  }
0x93: {  	v4 =	vperm.xlane v3, v0;
	_ =	sdelay $0x1  }
0x94: {  	v3 =	vperm.xlane v3, v2;
	v4 =	vadd.s32 v1, v4;
	_ =	sdelay $0x1  }
0x95: {  	v3 =	vadd.s32 v1, v3;
	_ =	sdelay $0x1  }
0x96: {  	s16 =	simm.s32 $0xF400  }
0x97: {  	[tilespmem:s16], [sflag:$0x2] =	stream.indirect_vreg.gather [hbm4b:s2+s3], $0x80, v4, vm0, $0xb8;
	[tilespmem:$0x1E400] =	vst v63  }
0x98: {  	s23 =	simm.s32 $0xFC00  }
0x99: {  	[tilespmem:s23], [sflag:$0x2] =	stream.indirect_vreg.gather [hbm4b:s2+s3], $0x80, v3, vm0, $0xb8;
	[tilespmem:$0x1E400] =	vst v63  }
0x9a: {  	v3 =	vld [tilespmem:$0xA0];
	_ =	sdelay $0x4  }
0x9b: {  	v50 =	vshll.u32 v3, $0x1  }
0x9c: {  	v3 =	vand.u32 $0x7, v3;
	v4 =	vand.u32 $0xFFFFFFF0, v50  }
0x9d: {  	v3 =	vor.u32 v3, v4  }
0x9e: {  	v4 =	vperm.xlane v3, v0;
	_ =	sdelay $0x1  }
0x9f: {  	v3 =	vperm.xlane v3, v2;
	v4 =	vadd.s32 v1, v4;
	_ =	sdelay $0x1  }
0xa0: {  	v3 =	vadd.s32 v1, v3;
	_ =	sdelay $0x1  }
0xa1: {  	s1 =	simm.s32 $0x10400  }
0xa2: {  	[tilespmem:s1], [sflag:$0x2] =	stream.indirect_vreg.gather [hbm4b:s2+s3], $0x80, v4, vm0, $0xb8;
	[tilespmem:$0x1E400] =	vst v63  }
0xa3: {  	s16 =	simm.s32 $0x10C00  }
0xa4: {  	[tilespmem:s16], [sflag:$0x2] =	stream.indirect_vreg.gather [hbm4b:s2+s3], $0x80, v3, vm0, $0xb8;
	[tilespmem:$0x1E400] =	vst v63  }
0xa5: {  	v3 =	vld [tilespmem:$0xB0];
	_ =	sdelay $0x4  }
0xa6: {  	v51 =	vshll.u32 v3, $0x1  }
0xa7: {  	v3 =	vand.u32 $0x7, v3;
	v4 =	vand.u32 $0xFFFFFFF0, v51  }
0xa8: {  	v3 =	vor.u32 v3, v4  }
0xa9: {  	v4 =	vperm.xlane v3, v0;
	_ =	sdelay $0x1  }
0xaa: {  	v3 =	vperm.xlane v3, v2;
	v4 =	vadd.s32 v1, v4;
	_ =	sdelay $0x1  }
0xab: {  	v3 =	vadd.s32 v1, v3;
	_ =	sdelay $0x1  }
0xac: {  	s23 =	simm.s32 $0x11400  }
0xad: {  	[tilespmem:s23], [sflag:$0x2] =	stream.indirect_vreg.gather [hbm4b:s2+s3], $0x80, v4, vm0, $0xb8;
	[tilespmem:$0x1E400] =	vst v63  }
0xae: {  	_ = 	snop  }
0xaf: {  	[tilespmem:s4], [sflag:$0x2] =	stream.indirect_vreg.gather [hbm4b:s2+s3], $0x80, v3, vm0, $0xb8;
	[tilespmem:$0x1E400] =	vst v63  }
0xb0: {  	v3 =	vld [tilespmem:$0xC0];
	_ =	sdelay $0x4  }
0xb1: {  	v52 =	vshll.u32 v3, $0x1  }
0xb2: {  	v3 =	vand.u32 $0x7, v3;
	v4 =	vand.u32 $0xFFFFFFF0, v52  }
0xb3: {  	v3 =	vor.u32 v3, v4  }
0xb4: {  	v4 =	vperm.xlane v3, v0;
	_ =	sdelay $0x1  }
0xb5: {  	v3 =	vperm.xlane v3, v2;
	v4 =	vadd.s32 v1, v4;
	_ =	sdelay $0x1  }
0xb6: {  	v3 =	vadd.s32 v1, v3;
	_ =	sdelay $0x2  }
0xb7: {  	[tilespmem:s5], [sflag:$0x2] =	stream.indirect_vreg.gather [hbm4b:s2+s3], $0x80, v4, vm0, $0xb8;
	[tilespmem:$0x1E400] =	vst v63  }
0xb8: {  	_ = 	snop  }
0xb9: {  	[tilespmem:s6], [sflag:$0x2] =	stream.indirect_vreg.gather [hbm4b:s2+s3], $0x80, v3, vm0, $0xb8;
	[tilespmem:$0x1E400] =	vst v63  }
0xba: {  	v3 =	vld [tilespmem:$0xD0];
	_ =	sdelay $0x4  }
0xbb: {  	v53 =	vshll.u32 v3, $0x1  }
0xbc: {  	v3 =	vand.u32 $0x7, v3;
	v4 =	vand.u32 $0xFFFFFFF0, v53  }
0xbd: {  	v3 =	vor.u32 v3, v4  }
0xbe: {  	v4 =	vperm.xlane v3, v0;
	_ =	sdelay $0x1  }
0xbf: {  	v3 =	vperm.xlane v3, v2;
	v4 =	vadd.s32 v1, v4;
	_ =	sdelay $0x1  }
0xc0: {  	v3 =	vadd.s32 v1, v3;
	_ =	sdelay $0x2  }
0xc1: {  	[tilespmem:s7], [sflag:$0x2] =	stream.indirect_vreg.gather [hbm4b:s2+s3], $0x80, v4, vm0, $0xb8;
	[tilespmem:$0x1E400] =	vst v63  }
0xc2: {  	_ = 	snop  }
0xc3: {  	[tilespmem:s9], [sflag:$0x2] =	stream.indirect_vreg.gather [hbm4b:s2+s3], $0x80, v3, vm0, $0xb8;
	[tilespmem:$0x1E400] =	vst v63  }
0xc4: {  	v3 =	vld [tilespmem:$0xE0];
	_ =	sdelay $0x4  }
0xc5: {  	v54 =	vshll.u32 v3, $0x1  }
0xc6: {  	v3 =	vand.u32 $0x7, v3;
	v4 =	vand.u32 $0xFFFFFFF0, v54  }
0xc7: {  	v3 =	vor.u32 v3, v4  }
0xc8: {  	v4 =	vperm.xlane v3, v0;
	_ =	sdelay $0x1  }
0xc9: {  	v3 =	vperm.xlane v3, v2;
	v4 =	vadd.s32 v1, v4;
	_ =	sdelay $0x1  }
0xca: {  	v3 =	vadd.s32 v1, v3;
	_ =	sdelay $0x2  }
0xcb: {  	[tilespmem:s11], [sflag:$0x2] =	stream.indirect_vreg.gather [hbm4b:s2+s3], $0x80, v4, vm0, $0xb8;
	[tilespmem:$0x1E400] =	vst v63  }
0xcc: {  	_ = 	snop  }
0xcd: {  	[tilespmem:s12], [sflag:$0x2] =	stream.indirect_vreg.gather [hbm4b:s2+s3], $0x80, v3, vm0, $0xb8;
	[tilespmem:$0x1E400] =	vst v63  }
0xce: {  	v3 =	vld [tilespmem:$0xF0];
	_ =	sdelay $0x4  }
0xcf: {  	v55 =	vshll.u32 v3, $0x1  }
0xd0: {  	v3 =	vand.u32 $0x7, v3;
	v4 =	vand.u32 $0xFFFFFFF0, v55  }
0xd1: {  	v3 =	vor.u32 v3, v4  }
0xd2: {  	v4 =	vperm.xlane v3, v0;
	_ =	sdelay $0x1  }
0xd3: {  	v3 =	vperm.xlane v3, v2;
	v4 =	vadd.s32 v1, v4;
	_ =	sdelay $0x1  }
0xd4: {  	v3 =	vadd.s32 v1, v3;
	_ =	sdelay $0x2  }
0xd5: {  	[tilespmem:s13], [sflag:$0x2] =	stream.indirect_vreg.gather [hbm4b:s2+s3], $0x80, v4, vm0, $0xb8;
	[tilespmem:$0x1E400] =	vst v63  }
0xd6: {  	_ = 	snop  }
0xd7: {  	[tilespmem:s14], [sflag:$0x2] =	stream.indirect_vreg.gather [hbm4b:s2+s3], $0x80, v3, vm0, $0xb8;
	[tilespmem:$0x1E400] =	vst v63  }
0xd8: {  	v3 =	vld [tilespmem:$0x100];
	_ =	sdelay $0x4  }
0xd9: {  	v56 =	vshll.u32 v3, $0x1  }
0xda: {  	v3 =	vand.u32 $0x7, v3;
	v4 =	vand.u32 $0xFFFFFFF0, v56  }
0xdb: {  	v3 =	vor.u32 v3, v4  }
0xdc: {  	v4 =	vperm.xlane v3, v0;
	_ =	sdelay $0x1  }
0xdd: {  	v3 =	vperm.xlane v3, v2;
	v4 =	vadd.s32 v1, v4;
	_ =	sdelay $0x1  }
0xde: {  	v3 =	vadd.s32 v1, v3;
	_ =	sdelay $0x2  }
0xdf: {  	[tilespmem:s15], [sflag:$0x3] =	stream.indirect_vreg.gather [hbm4b:s2+s3], $0x80, v4, vm0, $0xb8;
	[tilespmem:$0x1E400] =	vst v63  }
0xe0: {  	s1 =	simm.s32 $0x16C00  }
0xe1: {  	[tilespmem:s1], [sflag:$0x3] =	stream.indirect_vreg.gather [hbm4b:s2+s3], $0x80, v3, vm0, $0xb8;
	[tilespmem:$0x1E400] =	vst v63  }
0xe2: {  	v3 =	vld [tilespmem:$0x110];
	_ =	sdelay $0x4  }
0xe3: {  	v57 =	vshll.u32 v3, $0x1  }
0xe4: {  	v3 =	vand.u32 $0x7, v3;
	v4 =	vand.u32 $0xFFFFFFF0, v57  }
0xe5: {  	v3 =	vor.u32 v3, v4  }
0xe6: {  	v4 =	vperm.xlane v3, v0;
	_ =	sdelay $0x1  }
0xe7: {  	v3 =	vperm.xlane v3, v2;
	v4 =	vadd.s32 v1, v4;
	_ =	sdelay $0x1  }
0xe8: {  	v3 =	vadd.s32 v1, v3;
	_ =	sdelay $0x1  }
0xe9: {  	s16 =	simm.s32 $0x17400  }
0xea: {  	[tilespmem:s16], [sflag:$0x3] =	stream.indirect_vreg.gather [hbm4b:s2+s3], $0x80, v4, vm0, $0xb8;
	[tilespmem:$0x1E400] =	vst v63  }
0xeb: {  	s23 =	simm.s32 $0x17C00  }
0xec: {  	[tilespmem:s23], [sflag:$0x3] =	stream.indirect_vreg.gather [hbm4b:s2+s3], $0x80, v3, vm0, $0xb8;
	[tilespmem:$0x1E400] =	vst v63  }
0xed: {  	v3 =	vld [tilespmem:$0x120];
	_ =	sdelay $0x4  }
0xee: {  	v58 =	vshll.u32 v3, $0x1  }
0xef: {  	v3 =	vand.u32 $0x7, v3;
	v4 =	vand.u32 $0xFFFFFFF0, v58  }
0xf0: {  	v3 =	vor.u32 v3, v4  }
0xf1: {  	v4 =	vperm.xlane v3, v0;
	_ =	sdelay $0x1  }
0xf2: {  	v3 =	vperm.xlane v3, v2;
	v4 =	vadd.s32 v1, v4;
	_ =	sdelay $0x1  }
0xf3: {  	v3 =	vadd.s32 v1, v3;
	_ =	sdelay $0x1  }
0xf4: {  	s1 =	simm.s32 $0x18400  }
0xf5: {  	[tilespmem:s1], [sflag:$0x3] =	stream.indirect_vreg.gather [hbm4b:s2+s3], $0x80, v4, vm0, $0xb8;
	[tilespmem:$0x1E400] =	vst v63  }
0xf6: {  	s16 =	simm.s32 $0x18C00  }
0xf7: {  	[tilespmem:s16], [sflag:$0x3] =	stream.indirect_vreg.gather [hbm4b:s2+s3], $0x80, v3, vm0, $0xb8;
	[tilespmem:$0x1E400] =	vst v63  }
0xf8: {  	v3 =	vld [tilespmem:$0x130];
	_ =	sdelay $0x4  }
0xf9: {  	v59 =	vshll.u32 v3, $0x1  }
0xfa: {  	v3 =	vand.u32 $0x7, v3;
	v4 =	vand.u32 $0xFFFFFFF0, v59  }
0xfb: {  	v3 =	vor.u32 v3, v4  }
0xfc: {  	v4 =	vperm.xlane v3, v0;
	_ =	sdelay $0x1  }
0xfd: {  	v3 =	vperm.xlane v3, v2;
	v4 =	vadd.s32 v1, v4;
	_ =	sdelay $0x1  }
0xfe: {  	v3 =	vadd.s32 v1, v3;
	_ =	sdelay $0x1  }
0xff: {  	s23 =	simm.s32 $0x19400  }
0x100: {  	[tilespmem:s23], [sflag:$0x3] =	stream.indirect_vreg.gather [hbm4b:s2+s3], $0x80, v4, vm0, $0xb8;
	[tilespmem:$0x1E400] =	vst v63  }
0x101: {  	s1 =	simm.s32 $0x19C00  }
0x102: {  	[tilespmem:s1], [sflag:$0x3] =	stream.indirect_vreg.gather [hbm4b:s2+s3], $0x80, v3, vm0, $0xb8;
	[tilespmem:$0x1E400] =	vst v63  }
0x103: {  	v3 =	vld [tilespmem:$0x140];
	_ =	sdelay $0x4  }
0x104: {  	v60 =	vshll.u32 v3, $0x1  }
0x105: {  	v3 =	vand.u32 $0x7, v3;
	v4 =	vand.u32 $0xFFFFFFF0, v60  }
0x106: {  	v3 =	vor.u32 v3, v4  }
0x107: {  	v4 =	vperm.xlane v3, v0;
	_ =	sdelay $0x1  }
0x108: {  	v3 =	vperm.xlane v3, v2;
	v4 =	vadd.s32 v1, v4;
	_ =	sdelay $0x1  }
0x109: {  	v3 =	vadd.s32 v1, v3;
	_ =	sdelay $0x1  }
0x10a: {  	s16 =	simm.s32 $0x1A400  }
0x10b: {  	[tilespmem:s16], [sflag:$0x3] =	stream.indirect_vreg.gather [hbm4b:s2+s3], $0x80, v4, vm0, $0xb8;
	[tilespmem:$0x1E400] =	vst v63  }
0x10c: {  	s23 =	simm.s32 $0x1AC00  }
0x10d: {  	[tilespmem:s23], [sflag:$0x3] =	stream.indirect_vreg.gather [hbm4b:s2+s3], $0x80, v3, vm0, $0xb8;
	[tilespmem:$0x1E400] =	vst v63  }
0x10e: {  	v3 =	vld [tilespmem:$0x150];
	_ =	sdelay $0x4  }
0x10f: {  	v61 =	vshll.u32 v3, $0x1  }
0x110: {  	v3 =	vand.u32 $0x7, v3;
	v4 =	vand.u32 $0xFFFFFFF0, v61  }
0x111: {  	v3 =	vor.u32 v3, v4  }
0x112: {  	v4 =	vperm.xlane v3, v0;
	_ =	sdelay $0x1  }
0x113: {  	v3 =	vperm.xlane v3, v2;
	v4 =	vadd.s32 v1, v4;
	_ =	sdelay $0x1  }
0x114: {  	v3 =	vadd.s32 v1, v3;
	_ =	sdelay $0x2  }
0x115: {  	[tilespmem:s24], [sflag:$0x3] =	stream.indirect_vreg.gather [hbm4b:s2+s3], $0x80, v4, vm0, $0xb8;
	[tilespmem:$0x1E400] =	vst v63  }
0x116: {  	_ = 	snop  }
0x117: {  	[tilespmem:s17], [sflag:$0x3] =	stream.indirect_vreg.gather [hbm4b:s2+s3], $0x80, v3, vm0, $0xb8;
	[tilespmem:$0x1E400] =	vst v63  }
0x118: {  	v3 =	vld [tilespmem:$0x160];
	_ =	sdelay $0x4  }
0x119: {  	v62 =	vshll.u32 v3, $0x1  }
0x11a: {  	v3 =	vand.u32 $0x7, v3;
	v4 =	vand.u32 $0xFFFFFFF0, v62  }
0x11b: {  	v3 =	vor.u32 v3, v4  }
0x11c: {  	v4 =	vperm.xlane v3, v0;
	_ =	sdelay $0x1  }
0x11d: {  	v3 =	vperm.xlane v3, v2;
	v4 =	vadd.s32 v1, v4;
	_ =	sdelay $0x1  }
0x11e: {  	v3 =	vadd.s32 v1, v3;
	_ =	sdelay $0x2  }
0x11f: {  	[tilespmem:s25], [sflag:$0x3] =	stream.indirect_vreg.gather [hbm4b:s2+s3], $0x80, v4, vm0, $0xb8;
	[tilespmem:$0x1E400] =	vst v63  }
0x120: {  	_ = 	snop  }
0x121: {  	[tilespmem:s18], [sflag:$0x3] =	stream.indirect_vreg.gather [hbm4b:s2+s3], $0x80, v3, vm0, $0xb8;
	[tilespmem:$0x1E400] =	vst v63  }
0x122: {  	v3 =	vld [tilespmem:$0x170];
	_ =	sdelay $0x4  }
0x123: {  	v63 =	vshll.u32 v3, $0x1  }
0x124: {  	v3 =	vand.u32 $0x7, v3;
	v4 =	vand.u32 $0xFFFFFFF0, v63  }
0x125: {  	v3 =	vor.u32 v3, v4  }
0x126: {  	v4 =	vperm.xlane v3, v0;
	_ =	sdelay $0x1  }
0x127: {  	v3 =	vperm.xlane v3, v2;
	v4 =	vadd.s32 v1, v4;
	_ =	sdelay $0x1  }
0x128: {  	v3 =	vadd.s32 v1, v3;
	_ =	sdelay $0x2  }
0x129: {  	[tilespmem:s19], [sflag:$0x3] =	stream.indirect_vreg.gather [hbm4b:s2+s3], $0x80, v4, vm0, $0xb8;
	[tilespmem:$0x1E400] =	vst v63  }
0x12a: {  	s1 =	simm.s32 $0x0;
	s23 =	simm.s32 $0x2F0  }
0x12b: {  	[tilespmem:s28], [sflag:$0x3] =	stream.indirect_vreg.gather [hbm4b:s2+s3], $0x80, v3, vm0, $0xb8;
	[tilespmem:$0x1E400] =	vst v63  }
.LBB2_2:
0x12c: {  	_ =	swait.ge [sflag:s20], $0x8000  }
0x12d: {  	[sflag:s20] =	ssyncset.done $0x0  }
0x12e: {  	s16 =	sadd.s32 s1, s8;
	[sflag:s20] =	ssyncadd.s32 $0xFFFF8000  }
0x12f: {  	[hbm4b:s16+s3] =	stream.linear.scatter [tilespmem:s10], [sflag:$0x4], $0x8000, $0x38;
	[tilespmem:$0x1E400] =	vst v63  }
0x130: {  	_ =	swait.ge [sflag:s29], $0x8000  }
0x131: {  	[sflag:s29] =	ssyncset.done $0x0  }
0x132: {  	s0 =	sadd.s32 $0x1000, s16;
	[sflag:s29] =	ssyncadd.s32 $0xFFFF8000  }
0x133: {  	[hbm4b:s0+s3] =	stream.linear.scatter [tilespmem:s26], [sflag:$0x5], $0x8000, $0x38;
	[tilespmem:$0x1E400] =	vst v63  }
0x134: {  	_ =	swait.ge [sflag:s21], $0x8000  }
0x135: {  	[sflag:s21] =	ssyncset.done $0x0  }
0x136: {  	s16 =	sadd.s32 $0x2000, s16;
	[sflag:s21] =	ssyncadd.s32 $0xFFFF8000  }
0x137: {  	[hbm4b:s16+s3] =	stream.linear.scatter [tilespmem:s15], [sflag:$0x6], $0x8000, $0x38;
	[tilespmem:$0x1E400] =	vst v63  }
0x138: {  	_ =	swait.ge [sflag:s30], $0x8000  }
0x139: {  	[sflag:s30] =	ssyncset.done $0x0  }
0x13a: {  	[sflag:s30] =	ssyncadd.s32 $0xFFFF8000  }
0x13b: {  	v3 =	vld [tilespmem:s23+$0xFFFFFE90];
	_ =	sdelay $0x4  }
0x13c: {  	v4 =	vshll.u32 v3, $0x1  }
0x13d: {  	v3 =	vand.u32 $0x7, v3;
	v4 =	vand.u32 $0xFFFFFFF0, v4  }
0x13e: {  	v3 =	vor.u32 v3, v4  }
0x13f: {  	v4 =	vperm.xlane v3, v0;
	_ =	sdelay $0x1  }
0x140: {  	v3 =	vperm.xlane v3, v2;
	v4 =	vadd.s32 v1, v4;
	_ =	sdelay $0x1  }
0x141: {  	v3 =	vadd.s32 v1, v3;
	_ =	sdelay $0x2  }
0x142: {  	[tilespmem:s10], [sflag:$0x1] =	stream.indirect_vreg.gather [hbm4b:s2+s3], $0x80, v4, vm0, $0xb8;
	[tilespmem:$0x1E400] =	vst v63  }
0x143: {  	s16 =	simm.s32 $0x6C00  }
0x144: {  	[tilespmem:s16], [sflag:$0x1] =	stream.indirect_vreg.gather [hbm4b:s2+s3], $0x80, v3, vm0, $0xb8;
	[tilespmem:$0x1E400] =	vst v63  }
0x145: {  	v3 =	vld [tilespmem:s23+$0xFFFFFEA0];
	_ =	sdelay $0x4  }
0x146: {  	v49 =	vshll.u32 v3, $0x1  }
0x147: {  	v3 =	vand.u32 $0x7, v3;
	v4 =	vand.u32 $0xFFFFFFF0, v49  }
0x148: {  	v3 =	vor.u32 v3, v4  }
0x149: {  	v4 =	vperm.xlane v3, v0;
	_ =	sdelay $0x1  }
0x14a: {  	v3 =	vperm.xlane v3, v2;
	v4 =	vadd.s32 v1, v4;
	_ =	sdelay $0x1  }
0x14b: {  	v3 =	vadd.s32 v1, v3;
	_ =	sdelay $0x1  }
0x14c: {  	s16 =	simm.s32 $0x7400  }
0x14d: {  	[tilespmem:s16], [sflag:$0x1] =	stream.indirect_vreg.gather [hbm4b:s2+s3], $0x80, v4, vm0, $0xb8;
	[tilespmem:$0x1E400] =	vst v63  }
0x14e: {  	s16 =	simm.s32 $0x7C00  }
0x14f: {  	[tilespmem:s16], [sflag:$0x1] =	stream.indirect_vreg.gather [hbm4b:s2+s3], $0x80, v3, vm0, $0xb8;
	[tilespmem:$0x1E400] =	vst v63  }
0x150: {  	v3 =	vld [tilespmem:s23+$0xFFFFFEB0];
	_ =	sdelay $0x4  }
0x151: {  	v50 =	vshll.u32 v3, $0x1  }
0x152: {  	v3 =	vand.u32 $0x7, v3;
	v4 =	vand.u32 $0xFFFFFFF0, v50  }
0x153: {  	v3 =	vor.u32 v3, v4  }
0x154: {  	v4 =	vperm.xlane v3, v0;
	_ =	sdelay $0x1  }
0x155: {  	v3 =	vperm.xlane v3, v2;
	v4 =	vadd.s32 v1, v4;
	_ =	sdelay $0x1  }
0x156: {  	v3 =	vadd.s32 v1, v3;
	_ =	sdelay $0x1  }
0x157: {  	s16 =	simm.s32 $0x8400  }
0x158: {  	[tilespmem:s16], [sflag:$0x1] =	stream.indirect_vreg.gather [hbm4b:s2+s3], $0x80, v4, vm0, $0xb8;
	[tilespmem:$0x1E400] =	vst v63  }
0x159: {  	s16 =	simm.s32 $0x8C00  }
0x15a: {  	[tilespmem:s16], [sflag:$0x1] =	stream.indirect_vreg.gather [hbm4b:s2+s3], $0x80, v3, vm0, $0xb8;
	[tilespmem:$0x1E400] =	vst v63  }
0x15b: {  	v3 =	vld [tilespmem:s23+$0xFFFFFEC0];
	_ =	sdelay $0x4  }
0x15c: {  	v51 =	vshll.u32 v3, $0x1  }
0x15d: {  	v3 =	vand.u32 $0x7, v3;
	v4 =	vand.u32 $0xFFFFFFF0, v51  }
0x15e: {  	v3 =	vor.u32 v3, v4  }
0x15f: {  	v4 =	vperm.xlane v3, v0;
	_ =	sdelay $0x1  }
0x160: {  	v3 =	vperm.xlane v3, v2;
	v4 =	vadd.s32 v1, v4;
	_ =	sdelay $0x1  }
0x161: {  	v3 =	vadd.s32 v1, v3;
	_ =	sdelay $0x1  }
0x162: {  	s16 =	simm.s32 $0x9400  }
0x163: {  	[tilespmem:s16], [sflag:$0x1] =	stream.indirect_vreg.gather [hbm4b:s2+s3], $0x80, v4, vm0, $0xb8;
	[tilespmem:$0x1E400] =	vst v63  }
0x164: {  	s16 =	simm.s32 $0x9C00  }
0x165: {  	[tilespmem:s16], [sflag:$0x1] =	stream.indirect_vreg.gather [hbm4b:s2+s3], $0x80, v3, vm0, $0xb8;
	[tilespmem:$0x1E400] =	vst v63  }
0x166: {  	v3 =	vld [tilespmem:s23+$0xFFFFFED0];
	_ =	sdelay $0x4  }
0x167: {  	v52 =	vshll.u32 v3, $0x1  }
0x168: {  	v3 =	vand.u32 $0x7, v3;
	v4 =	vand.u32 $0xFFFFFFF0, v52  }
0x169: {  	v3 =	vor.u32 v3, v4  }
0x16a: {  	v4 =	vperm.xlane v3, v0;
	_ =	sdelay $0x1  }
0x16b: {  	v3 =	vperm.xlane v3, v2;
	v4 =	vadd.s32 v1, v4;
	_ =	sdelay $0x1  }
0x16c: {  	v3 =	vadd.s32 v1, v3;
	_ =	sdelay $0x1  }
0x16d: {  	s16 =	simm.s32 $0xA400  }
0x16e: {  	[tilespmem:s16], [sflag:$0x1] =	stream.indirect_vreg.gather [hbm4b:s2+s3], $0x80, v4, vm0, $0xb8;
	[tilespmem:$0x1E400] =	vst v63  }
0x16f: {  	s16 =	simm.s32 $0xAC00  }
0x170: {  	[tilespmem:s16], [sflag:$0x1] =	stream.indirect_vreg.gather [hbm4b:s2+s3], $0x80, v3, vm0, $0xb8;
	[tilespmem:$0x1E400] =	vst v63  }
0x171: {  	v3 =	vld [tilespmem:s23+$0xFFFFFEE0];
	_ =	sdelay $0x4  }
0x172: {  	v53 =	vshll.u32 v3, $0x1  }
0x173: {  	v3 =	vand.u32 $0x7, v3;
	v4 =	vand.u32 $0xFFFFFFF0, v53  }
0x174: {  	v3 =	vor.u32 v3, v4  }
0x175: {  	v4 =	vperm.xlane v3, v0;
	_ =	sdelay $0x1  }
0x176: {  	v3 =	vperm.xlane v3, v2;
	v4 =	vadd.s32 v1, v4;
	_ =	sdelay $0x1  }
0x177: {  	v3 =	vadd.s32 v1, v3;
	_ =	sdelay $0x1  }
0x178: {  	s16 =	simm.s32 $0xB400  }
0x179: {  	[tilespmem:s16], [sflag:$0x1] =	stream.indirect_vreg.gather [hbm4b:s2+s3], $0x80, v4, vm0, $0xb8;
	[tilespmem:$0x1E400] =	vst v63  }
0x17a: {  	s16 =	simm.s32 $0xBC00  }
0x17b: {  	[tilespmem:s16], [sflag:$0x1] =	stream.indirect_vreg.gather [hbm4b:s2+s3], $0x80, v3, vm0, $0xb8;
	[tilespmem:$0x1E400] =	vst v63  }
0x17c: {  	v3 =	vld [tilespmem:s23+$0xFFFFFEF0];
	_ =	sdelay $0x4  }
0x17d: {  	v54 =	vshll.u32 v3, $0x1  }
0x17e: {  	v3 =	vand.u32 $0x7, v3;
	v4 =	vand.u32 $0xFFFFFFF0, v54  }
0x17f: {  	v3 =	vor.u32 v3, v4  }
0x180: {  	v4 =	vperm.xlane v3, v0;
	_ =	sdelay $0x1  }
0x181: {  	v3 =	vperm.xlane v3, v2;
	v4 =	vadd.s32 v1, v4;
	_ =	sdelay $0x1  }
0x182: {  	v3 =	vadd.s32 v1, v3;
	_ =	sdelay $0x1  }
0x183: {  	s16 =	simm.s32 $0xC400  }
0x184: {  	[tilespmem:s16], [sflag:$0x1] =	stream.indirect_vreg.gather [hbm4b:s2+s3], $0x80, v4, vm0, $0xb8;
	[tilespmem:$0x1E400] =	vst v63  }
0x185: {  	s16 =	simm.s32 $0xCC00  }
0x186: {  	[tilespmem:s16], [sflag:$0x1] =	stream.indirect_vreg.gather [hbm4b:s2+s3], $0x80, v3, vm0, $0xb8;
	[tilespmem:$0x1E400] =	vst v63  }
0x187: {  	v3 =	vld [tilespmem:s23+$0xFFFFFF00];
	_ =	sdelay $0x4  }
0x188: {  	v55 =	vshll.u32 v3, $0x1  }
0x189: {  	v3 =	vand.u32 $0x7, v3;
	v4 =	vand.u32 $0xFFFFFFF0, v55  }
0x18a: {  	v3 =	vor.u32 v3, v4  }
0x18b: {  	v4 =	vperm.xlane v3, v0;
	_ =	sdelay $0x1  }
0x18c: {  	v3 =	vperm.xlane v3, v2;
	v4 =	vadd.s32 v1, v4;
	_ =	sdelay $0x1  }
0x18d: {  	v3 =	vadd.s32 v1, v3;
	_ =	sdelay $0x1  }
0x18e: {  	s16 =	simm.s32 $0xD400  }
0x18f: {  	[tilespmem:s16], [sflag:$0x1] =	stream.indirect_vreg.gather [hbm4b:s2+s3], $0x80, v4, vm0, $0xb8;
	[tilespmem:$0x1E400] =	vst v63  }
0x190: {  	s16 =	simm.s32 $0xDC00  }
0x191: {  	[tilespmem:s16], [sflag:$0x1] =	stream.indirect_vreg.gather [hbm4b:s2+s3], $0x80, v3, vm0, $0xb8;
	[tilespmem:$0x1E400] =	vst v63  }
0x192: {  	_ =	swait.ge [sflag:s22], $0x8000  }
0x193: {  	[sflag:s22] =	ssyncset.done $0x0  }
0x194: {  	[sflag:s22] =	ssyncadd.s32 $0xFFFF8000  }
0x195: {  	v3 =	vld [tilespmem:s23+$0xFFFFFF10];
	_ =	sdelay $0x4  }
0x196: {  	v56 =	vshll.u32 v3, $0x1  }
0x197: {  	v3 =	vand.u32 $0x7, v3;
	v4 =	vand.u32 $0xFFFFFFF0, v56  }
0x198: {  	v3 =	vor.u32 v3, v4  }
0x199: {  	v4 =	vperm.xlane v3, v0;
	_ =	sdelay $0x1  }
0x19a: {  	v3 =	vperm.xlane v3, v2;
	v4 =	vadd.s32 v1, v4;
	_ =	sdelay $0x1  }
0x19b: {  	v3 =	vadd.s32 v1, v3;
	_ =	sdelay $0x2  }
0x19c: {  	[tilespmem:s26], [sflag:$0x2] =	stream.indirect_vreg.gather [hbm4b:s2+s3], $0x80, v4, vm0, $0xb8;
	[tilespmem:$0x1E400] =	vst v63  }
0x19d: {  	s16 =	simm.s32 $0xEC00  }
0x19e: {  	[tilespmem:s16], [sflag:$0x2] =	stream.indirect_vreg.gather [hbm4b:s2+s3], $0x80, v3, vm0, $0xb8;
	[tilespmem:$0x1E400] =	vst v63  }
0x19f: {  	v3 =	vld [tilespmem:s23+$0xFFFFFF20];
	_ =	sdelay $0x4  }
0x1a0: {  	v57 =	vshll.u32 v3, $0x1  }
0x1a1: {  	v3 =	vand.u32 $0x7, v3;
	v4 =	vand.u32 $0xFFFFFFF0, v57  }
0x1a2: {  	v3 =	vor.u32 v3, v4  }
0x1a3: {  	v4 =	vperm.xlane v3, v0;
	_ =	sdelay $0x1  }
0x1a4: {  	v3 =	vperm.xlane v3, v2;
	v4 =	vadd.s32 v1, v4;
	_ =	sdelay $0x1  }
0x1a5: {  	v3 =	vadd.s32 v1, v3;
	_ =	sdelay $0x1  }
0x1a6: {  	s16 =	simm.s32 $0xF400  }
0x1a7: {  	[tilespmem:s16], [sflag:$0x2] =	stream.indirect_vreg.gather [hbm4b:s2+s3], $0x80, v4, vm0, $0xb8;
	[tilespmem:$0x1E400] =	vst v63  }
0x1a8: {  	s16 =	simm.s32 $0xFC00  }
0x1a9: {  	[tilespmem:s16], [sflag:$0x2] =	stream.indirect_vreg.gather [hbm4b:s2+s3], $0x80, v3, vm0, $0xb8;
	[tilespmem:$0x1E400] =	vst v63  }
0x1aa: {  	v3 =	vld [tilespmem:s23+$0xFFFFFF30];
	_ =	sdelay $0x4  }
0x1ab: {  	v58 =	vshll.u32 v3, $0x1  }
0x1ac: {  	v3 =	vand.u32 $0x7, v3;
	v4 =	vand.u32 $0xFFFFFFF0, v58  }
0x1ad: {  	v3 =	vor.u32 v3, v4  }
0x1ae: {  	v4 =	vperm.xlane v3, v0;
	_ =	sdelay $0x1  }
0x1af: {  	v3 =	vperm.xlane v3, v2;
	v4 =	vadd.s32 v1, v4;
	_ =	sdelay $0x1  }
0x1b0: {  	v3 =	vadd.s32 v1, v3;
	_ =	sdelay $0x1  }
0x1b1: {  	s16 =	simm.s32 $0x10400  }
0x1b2: {  	[tilespmem:s16], [sflag:$0x2] =	stream.indirect_vreg.gather [hbm4b:s2+s3], $0x80, v4, vm0, $0xb8;
	[tilespmem:$0x1E400] =	vst v63  }
0x1b3: {  	s16 =	simm.s32 $0x10C00  }
0x1b4: {  	[tilespmem:s16], [sflag:$0x2] =	stream.indirect_vreg.gather [hbm4b:s2+s3], $0x80, v3, vm0, $0xb8;
	[tilespmem:$0x1E400] =	vst v63  }
0x1b5: {  	v3 =	vld [tilespmem:s23+$0xFFFFFF40];
	_ =	sdelay $0x4  }
0x1b6: {  	v59 =	vshll.u32 v3, $0x1  }
0x1b7: {  	v3 =	vand.u32 $0x7, v3;
	v4 =	vand.u32 $0xFFFFFFF0, v59  }
0x1b8: {  	v3 =	vor.u32 v3, v4  }
0x1b9: {  	v4 =	vperm.xlane v3, v0;
	_ =	sdelay $0x1  }
0x1ba: {  	v3 =	vperm.xlane v3, v2;
	v4 =	vadd.s32 v1, v4;
	_ =	sdelay $0x1  }
0x1bb: {  	v3 =	vadd.s32 v1, v3;
	_ =	sdelay $0x1  }
0x1bc: {  	s16 =	simm.s32 $0x11400  }
0x1bd: {  	[tilespmem:s16], [sflag:$0x2] =	stream.indirect_vreg.gather [hbm4b:s2+s3], $0x80, v4, vm0, $0xb8;
	[tilespmem:$0x1E400] =	vst v63  }
0x1be: {  	_ = 	snop  }
0x1bf: {  	[tilespmem:s4], [sflag:$0x2] =	stream.indirect_vreg.gather [hbm4b:s2+s3], $0x80, v3, vm0, $0xb8;
	[tilespmem:$0x1E400] =	vst v63  }
0x1c0: {  	v3 =	vld [tilespmem:s23+$0xFFFFFF50];
	_ =	sdelay $0x4  }
0x1c1: {  	v60 =	vshll.u32 v3, $0x1  }
0x1c2: {  	v3 =	vand.u32 $0x7, v3;
	v4 =	vand.u32 $0xFFFFFFF0, v60  }
0x1c3: {  	v3 =	vor.u32 v3, v4  }
0x1c4: {  	v4 =	vperm.xlane v3, v0;
	_ =	sdelay $0x1  }
0x1c5: {  	v3 =	vperm.xlane v3, v2;
	v4 =	vadd.s32 v1, v4;
	_ =	sdelay $0x1  }
0x1c6: {  	v3 =	vadd.s32 v1, v3;
	_ =	sdelay $0x2  }
0x1c7: {  	[tilespmem:s5], [sflag:$0x2] =	stream.indirect_vreg.gather [hbm4b:s2+s3], $0x80, v4, vm0, $0xb8;
	[tilespmem:$0x1E400] =	vst v63  }
0x1c8: {  	_ = 	snop  }
0x1c9: {  	[tilespmem:s6], [sflag:$0x2] =	stream.indirect_vreg.gather [hbm4b:s2+s3], $0x80, v3, vm0, $0xb8;
	[tilespmem:$0x1E400] =	vst v63  }
0x1ca: {  	v3 =	vld [tilespmem:s23+$0xFFFFFF60];
	_ =	sdelay $0x4  }
0x1cb: {  	v61 =	vshll.u32 v3, $0x1  }
0x1cc: {  	v3 =	vand.u32 $0x7, v3;
	v4 =	vand.u32 $0xFFFFFFF0, v61  }
0x1cd: {  	v3 =	vor.u32 v3, v4  }
0x1ce: {  	v4 =	vperm.xlane v3, v0;
	_ =	sdelay $0x1  }
0x1cf: {  	v3 =	vperm.xlane v3, v2;
	v4 =	vadd.s32 v1, v4;
	_ =	sdelay $0x1  }
0x1d0: {  	v3 =	vadd.s32 v1, v3;
	_ =	sdelay $0x2  }
0x1d1: {  	[tilespmem:s7], [sflag:$0x2] =	stream.indirect_vreg.gather [hbm4b:s2+s3], $0x80, v4, vm0, $0xb8;
	[tilespmem:$0x1E400] =	vst v63  }
0x1d2: {  	_ = 	snop  }
0x1d3: {  	[tilespmem:s9], [sflag:$0x2] =	stream.indirect_vreg.gather [hbm4b:s2+s3], $0x80, v3, vm0, $0xb8;
	[tilespmem:$0x1E400] =	vst v63  }
0x1d4: {  	v3 =	vld [tilespmem:s23+$0xFFFFFF70];
	_ =	sdelay $0x4  }
0x1d5: {  	v62 =	vshll.u32 v3, $0x1  }
0x1d6: {  	v3 =	vand.u32 $0x7, v3;
	v4 =	vand.u32 $0xFFFFFFF0, v62  }
0x1d7: {  	v3 =	vor.u32 v3, v4  }
0x1d8: {  	v4 =	vperm.xlane v3, v0;
	_ =	sdelay $0x1  }
0x1d9: {  	v3 =	vperm.xlane v3, v2;
	v4 =	vadd.s32 v1, v4;
	_ =	sdelay $0x1  }
0x1da: {  	v3 =	vadd.s32 v1, v3;
	_ =	sdelay $0x2  }
0x1db: {  	[tilespmem:s11], [sflag:$0x2] =	stream.indirect_vreg.gather [hbm4b:s2+s3], $0x80, v4, vm0, $0xb8;
	[tilespmem:$0x1E400] =	vst v63  }
0x1dc: {  	_ = 	snop  }
0x1dd: {  	[tilespmem:s12], [sflag:$0x2] =	stream.indirect_vreg.gather [hbm4b:s2+s3], $0x80, v3, vm0, $0xb8;
	[tilespmem:$0x1E400] =	vst v63  }
0x1de: {  	v3 =	vld [tilespmem:s23+$0xFFFFFF80];
	_ =	sdelay $0x4  }
0x1df: {  	v63 =	vshll.u32 v3, $0x1  }
0x1e0: {  	v3 =	vand.u32 $0x7, v3;
	v4 =	vand.u32 $0xFFFFFFF0, v63  }
0x1e1: {  	v3 =	vor.u32 v3, v4  }
0x1e2: {  	v4 =	vperm.xlane v3, v0;
	_ =	sdelay $0x1  }
0x1e3: {  	v3 =	vperm.xlane v3, v2;
	v4 =	vadd.s32 v1, v4;
	_ =	sdelay $0x1  }
0x1e4: {  	v3 =	vadd.s32 v1, v3;
	_ =	sdelay $0x1  }
0x1e5: {  	p0 =	seq.s32 s1, $0xC3000  }
0x1e6: {  	[tilespmem:s13], [sflag:$0x2] =	stream.indirect_vreg.gather [hbm4b:s2+s3], $0x80, v4, vm0, $0xb8;
	[tilespmem:$0x1E400] =	vst v63  }
.Ltmp2:
0x1e7: {  	_ = 	snop;
	(pc) =	sbr.rel @p0 .LBB2_4-.Ltmp2, $4  }
0x1e8: {  	[tilespmem:s14], [sflag:$0x2] =	stream.indirect_vreg.gather [hbm4b:s2+s3], $0x80, v3, vm0, $0xb8;
	[tilespmem:$0x1E400] =	vst v63  }
0x1e9: {  	_ =	swait.ge [sflag:s31], $0x8000  }
0x1ea: {  	[sflag:s31] =	ssyncset.done $0x0  }
0x1eb: {  	[sflag:s31] =	ssyncadd.s32 $0xFFFF8000  }
0x1ec: {  	v3 =	vld [tilespmem:s23+$0xFFFFFF90];
	_ =	sdelay $0x4  }
0x1ed: {  	v4 =	vshll.u32 v3, $0x1  }
0x1ee: {  	v3 =	vand.u32 $0x7, v3;
	v4 =	vand.u32 $0xFFFFFFF0, v4  }
0x1ef: {  	v3 =	vor.u32 v3, v4  }
0x1f0: {  	v4 =	vperm.xlane v3, v0;
	_ =	sdelay $0x1  }
0x1f1: {  	v3 =	vperm.xlane v3, v2;
	v4 =	vadd.s32 v1, v4;
	_ =	sdelay $0x1  }
0x1f2: {  	v3 =	vadd.s32 v1, v3;
	_ =	sdelay $0x2  }
0x1f3: {  	[tilespmem:s15], [sflag:$0x3] =	stream.indirect_vreg.gather [hbm4b:s2+s3], $0x80, v4, vm0, $0xb8;
	[tilespmem:$0x1E400] =	vst v63  }
0x1f4: {  	s0 =	simm.s32 $0x16C00  }
0x1f5: {  	[tilespmem:s0], [sflag:$0x3] =	stream.indirect_vreg.gather [hbm4b:s2+s3], $0x80, v3, vm0, $0xb8;
	[tilespmem:$0x1E400] =	vst v63  }
0x1f6: {  	v3 =	vld [tilespmem:s23+$0xFFFFFFA0];
	_ =	sdelay $0x4  }
0x1f7: {  	v57 =	vshll.u32 v3, $0x1  }
0x1f8: {  	v3 =	vand.u32 $0x7, v3;
	v4 =	vand.u32 $0xFFFFFFF0, v57  }
0x1f9: {  	v3 =	vor.u32 v3, v4  }
0x1fa: {  	v4 =	vperm.xlane v3, v0;
	_ =	sdelay $0x1  }
0x1fb: {  	v3 =	vperm.xlane v3, v2;
	v4 =	vadd.s32 v1, v4;
	_ =	sdelay $0x1  }
0x1fc: {  	v3 =	vadd.s32 v1, v3;
	_ =	sdelay $0x1  }
0x1fd: {  	s16 =	simm.s32 $0x17400  }
0x1fe: {  	[tilespmem:s16], [sflag:$0x3] =	stream.indirect_vreg.gather [hbm4b:s2+s3], $0x80, v4, vm0, $0xb8;
	[tilespmem:$0x1E400] =	vst v63  }
0x1ff: {  	s16 =	simm.s32 $0x17C00  }
0x200: {  	[tilespmem:s16], [sflag:$0x3] =	stream.indirect_vreg.gather [hbm4b:s2+s3], $0x80, v3, vm0, $0xb8;
	[tilespmem:$0x1E400] =	vst v63  }
0x201: {  	v3 =	vld [tilespmem:s23+$0xFFFFFFB0];
	_ =	sdelay $0x4  }
0x202: {  	v58 =	vshll.u32 v3, $0x1  }
0x203: {  	v3 =	vand.u32 $0x7, v3;
	v4 =	vand.u32 $0xFFFFFFF0, v58  }
0x204: {  	v3 =	vor.u32 v3, v4  }
0x205: {  	v4 =	vperm.xlane v3, v0;
	_ =	sdelay $0x1  }
0x206: {  	v3 =	vperm.xlane v3, v2;
	v4 =	vadd.s32 v1, v4;
	_ =	sdelay $0x1  }
0x207: {  	v3 =	vadd.s32 v1, v3;
	_ =	sdelay $0x1  }
0x208: {  	s16 =	simm.s32 $0x18400  }
0x209: {  	[tilespmem:s16], [sflag:$0x3] =	stream.indirect_vreg.gather [hbm4b:s2+s3], $0x80, v4, vm0, $0xb8;
	[tilespmem:$0x1E400] =	vst v63  }
0x20a: {  	s16 =	simm.s32 $0x18C00  }
0x20b: {  	[tilespmem:s16], [sflag:$0x3] =	stream.indirect_vreg.gather [hbm4b:s2+s3], $0x80, v3, vm0, $0xb8;
	[tilespmem:$0x1E400] =	vst v63  }
0x20c: {  	v3 =	vld [tilespmem:s23+$0xFFFFFFC0];
	_ =	sdelay $0x4  }
0x20d: {  	v59 =	vshll.u32 v3, $0x1  }
0x20e: {  	v3 =	vand.u32 $0x7, v3;
	v4 =	vand.u32 $0xFFFFFFF0, v59  }
0x20f: {  	v3 =	vor.u32 v3, v4  }
0x210: {  	v4 =	vperm.xlane v3, v0;
	_ =	sdelay $0x1  }
0x211: {  	v3 =	vperm.xlane v3, v2;
	v4 =	vadd.s32 v1, v4;
	_ =	sdelay $0x1  }
0x212: {  	v3 =	vadd.s32 v1, v3;
	_ =	sdelay $0x1  }
0x213: {  	s16 =	simm.s32 $0x19400  }
0x214: {  	[tilespmem:s16], [sflag:$0x3] =	stream.indirect_vreg.gather [hbm4b:s2+s3], $0x80, v4, vm0, $0xb8;
	[tilespmem:$0x1E400] =	vst v63  }
0x215: {  	s16 =	simm.s32 $0x19C00  }
0x216: {  	[tilespmem:s16], [sflag:$0x3] =	stream.indirect_vreg.gather [hbm4b:s2+s3], $0x80, v3, vm0, $0xb8;
	[tilespmem:$0x1E400] =	vst v63  }
0x217: {  	v3 =	vld [tilespmem:s23+$0xFFFFFFD0];
	_ =	sdelay $0x4  }
0x218: {  	v60 =	vshll.u32 v3, $0x1  }
0x219: {  	v3 =	vand.u32 $0x7, v3;
	v4 =	vand.u32 $0xFFFFFFF0, v60  }
0x21a: {  	v3 =	vor.u32 v3, v4  }
0x21b: {  	v4 =	vperm.xlane v3, v0;
	_ =	sdelay $0x1  }
0x21c: {  	v3 =	vperm.xlane v3, v2;
	v4 =	vadd.s32 v1, v4;
	_ =	sdelay $0x1  }
0x21d: {  	v3 =	vadd.s32 v1, v3;
	_ =	sdelay $0x1  }
0x21e: {  	s16 =	simm.s32 $0x1A400  }
0x21f: {  	[tilespmem:s16], [sflag:$0x3] =	stream.indirect_vreg.gather [hbm4b:s2+s3], $0x80, v4, vm0, $0xb8;
	[tilespmem:$0x1E400] =	vst v63  }
0x220: {  	s16 =	simm.s32 $0x1AC00  }
0x221: {  	[tilespmem:s16], [sflag:$0x3] =	stream.indirect_vreg.gather [hbm4b:s2+s3], $0x80, v3, vm0, $0xb8;
	[tilespmem:$0x1E400] =	vst v63  }
0x222: {  	v3 =	vld [tilespmem:s23+$0xFFFFFFE0];
	_ =	sdelay $0x4  }
0x223: {  	v61 =	vshll.u32 v3, $0x1  }
0x224: {  	v3 =	vand.u32 $0x7, v3;
	v4 =	vand.u32 $0xFFFFFFF0, v61  }
0x225: {  	v3 =	vor.u32 v3, v4  }
0x226: {  	v4 =	vperm.xlane v3, v0;
	_ =	sdelay $0x1  }
0x227: {  	v3 =	vperm.xlane v3, v2;
	v4 =	vadd.s32 v1, v4;
	_ =	sdelay $0x1  }
0x228: {  	v3 =	vadd.s32 v1, v3;
	_ =	sdelay $0x2  }
0x229: {  	[tilespmem:s24], [sflag:$0x3] =	stream.indirect_vreg.gather [hbm4b:s2+s3], $0x80, v4, vm0, $0xb8;
	[tilespmem:$0x1E400] =	vst v63  }
0x22a: {  	_ = 	snop  }
0x22b: {  	[tilespmem:s17], [sflag:$0x3] =	stream.indirect_vreg.gather [hbm4b:s2+s3], $0x80, v3, vm0, $0xb8;
	[tilespmem:$0x1E400] =	vst v63  }
0x22c: {  	v3 =	vld [tilespmem:s23+$0xFFFFFFF0];
	_ =	sdelay $0x4  }
0x22d: {  	v62 =	vshll.u32 v3, $0x1  }
0x22e: {  	v3 =	vand.u32 $0x7, v3;
	v4 =	vand.u32 $0xFFFFFFF0, v62  }
0x22f: {  	v3 =	vor.u32 v3, v4  }
0x230: {  	v4 =	vperm.xlane v3, v0;
	_ =	sdelay $0x1  }
0x231: {  	v3 =	vperm.xlane v3, v2;
	v4 =	vadd.s32 v1, v4;
	_ =	sdelay $0x1  }
0x232: {  	v3 =	vadd.s32 v1, v3;
	_ =	sdelay $0x2  }
0x233: {  	[tilespmem:s25], [sflag:$0x3] =	stream.indirect_vreg.gather [hbm4b:s2+s3], $0x80, v4, vm0, $0xb8;
	[tilespmem:$0x1E400] =	vst v63  }
0x234: {  	_ = 	snop  }
0x235: {  	[tilespmem:s18], [sflag:$0x3] =	stream.indirect_vreg.gather [hbm4b:s2+s3], $0x80, v3, vm0, $0xb8;
	[tilespmem:$0x1E400] =	vst v63  }
0x236: {  	v3 =	vld [tilespmem:s23+$0x0];
	_ =	sdelay $0x4  }
0x237: {  	v63 =	vshll.u32 v3, $0x1  }
0x238: {  	v3 =	vand.u32 $0x7, v3;
	v4 =	vand.u32 $0xFFFFFFF0, v63  }
0x239: {  	v3 =	vor.u32 v3, v4  }
0x23a: {  	v4 =	vperm.xlane v3, v0;
	_ =	sdelay $0x1  }
0x23b: {  	v3 =	vperm.xlane v3, v2;
	v4 =	vadd.s32 v1, v4;
	_ =	sdelay $0x1  }
0x23c: {  	v3 =	vadd.s32 v1, v3  }
.Ltmp3:
0x23d: {  	_ = 	snop;
	(pc) =	sbr.rel .LBB2_2-.Ltmp3, $4  }
0x23e: {  	_ = 	snop  }
0x23f: {  	[tilespmem:s19], [sflag:$0x3] =	stream.indirect_vreg.gather [hbm4b:s2+s3], $0x80, v4, vm0, $0xb8;
	[tilespmem:$0x1E400] =	vst v63  }
0x240: {  	s1 =	sadd.s32 $0x3000, s1;
	s23 =	sadd.s32 $0x180, s23  }
0x241: {  	[tilespmem:s28], [sflag:$0x3] =	stream.indirect_vreg.gather [hbm4b:s2+s3], $0x80, v3, vm0, $0xb8;
	[tilespmem:$0x1E400] =	vst v63  }
.LBB2_5:
0x242: {  	_ =	sfence.sel $0x180000  }
0x243: {  	[bflag:$0x0] =	sbarrier.arrive $0xFFFF  }
0x244: {  	_ =	strace $0x90000047  }
0x245: {  	s0 =	stileid.u32;
	[bflag:$0x2] =	sbarrier.arrive $0xFFFF  }
0x246: {  	p0 =	sne.s32 s0, $0x0;
	s0 =	rddreg [dreg:$0x3]  }
0x247: {  	s0 =	sadd.s32 @!p0 $0x100000, s0  }
0x248: {  	[sflag:s0] =	ssyncadd.tile.s32 @!p0 $0x1;
	_ =	shalt  }
.Lfunc_end2:
_tile_overlayer_lowered:
.L_overlay_start_2:
0x249: {  	(tag) =	ssettag $0x2  }
0x24a: {  	s0 =	rddreg [dreg:$0x0];
	s2 =	stileid.u32  }
0x24b: {  	s1 =	rddreg [dreg:$0x1];
	p0 =	sne.s32 s2, $0x0  }
0x24c: {  	s3 =	rddreg [dreg:$0x2];
	[bflag:$0x3] =	sbarrier.arrive $0xFFFF;
	s2 =	simm.s32 @!p0 $0x1C07  }
0x24d: {  	[timem:s3], [sflag:s2] =	dma.local @!p0 [hbm:s0], s1  }
0x24e: {  	s0 =	simm.s32 @!p0 $0x7  }
0x24f: {  	_ =	swait.ge @!p0 [sflag:s0], s1  }
0x250: {  	s1 =	ssub.s32 @!p0 $0x0, s1;
	[sflag:s0] =	ssyncset.done @!p0 $0x0  }
0x251: {  	[sflag:s0] =	ssyncadd.s32 @!p0 s1  }
0x252: {  	[bflag:$0x3] =	sbarrier.arrive $0xFFFF  }
0x253: {  	_ =	shalt  }

</sc_bundles>
